<compile_context>
chip_gen: v7x
topology: tpu7x:2x2x1
jax: 0.10.2.dev20260603
libtpu: 0.0.44.dev20260713+nightly
codegen_flags: <defaults>
</compile_context>

<pallas_src>
import functools

import jax
import jax.numpy as jnp
from jax import lax
from jax.experimental import pallas as pl
from jax.experimental.pallas import tpu as pltpu
from jax.experimental.pallas import tpu_sc as plsc

V = 1000
NC, NS, L = 2, 16, 16
NW = NC * NS
R = 16
NBUF = 2


def _lse_body(table_ref, out_ref):
    t = table_ref[...]
    m = jnp.max(t, axis=1, keepdims=True)
    s = jnp.sum(jnp.exp(t - m), axis=1, keepdims=True)
    out_ref[...] = m + jnp.log(s)


def _sc_body(nchunk, per_w, table_hbm, idx_hbm, tgt_hbm, lse_hbm,
             out_hbm, part_hbm,
             tab_sp, idx_v, tgt_v, lse_v, acc_v, *bufs):
    rows = bufs[:NBUF]
    sem_g = bufs[NBUF:2 * NBUF]
    sem_s = bufs[2 * NBUF:3 * NBUF]

    sid = lax.axis_index("s")
    wid = sid * NC + lax.axis_index("c")
    base = wid * per_w

    FR = V // NS
    pltpu.sync_copy(table_hbm.at[pl.ds(sid * FR, FR)],
                    tab_sp.at[pl.ds(sid * FR, FR)])

    @pl.when(sid == 0)
    def _():
        pltpu.sync_copy(table_hbm.at[pl.ds(NS * FR, V - NS * FR)],
                        tab_sp.at[pl.ds(NS * FR, V - NS * FR)])

    pltpu.sync_copy(idx_hbm.at[pl.ds(base, per_w)], idx_v)
    pltpu.sync_copy(tgt_hbm.at[pl.ds(base, per_w)], tgt_v)
    pltpu.sync_copy(lse_hbm, lse_v)
    acc_v[...] = jnp.zeros((L,), jnp.float32)
    lane = lax.iota(jnp.int32, L)
    plsc.subcore_barrier()

    for b in range(NBUF):
        pltpu.async_copy(tab_sp.at[idx_v.at[pl.ds(b * R, R)]],
                         rows[b], sem_g[b])

    def chunk_step(j, carry):
        for b in range(NBUF):
            c = j * NBUF + b
            pltpu.make_async_copy(tab_sp.at[pl.ds(0, R)],
                                  rows[b], sem_g[b]).wait()
            acc = acc_v[...]
            for g in range(R // L):
                idx16 = idx_v[pl.ds(c * R + g * L, L)]
                tgt16 = tgt_v[pl.ds(c * R + g * L, L)]
                lse16 = plsc.load_gather(lse_v, [idx16])
                val16 = plsc.load_gather(rows[b], [lane + g * L, tgt16])
                acc = acc + (lse16 - val16)
            acc_v[...] = acc
            dst = out_hbm.at[pl.ds(base + c * R, R)]
            pltpu.async_copy(rows[b], dst, sem_s[b])
            cn = c + NBUF

            @pl.when(cn < nchunk)
            def _():
                pltpu.make_async_copy(rows[b], dst, sem_s[b]).wait()
                pltpu.async_copy(tab_sp.at[idx_v.at[pl.ds(cn * R, R)]],
                                 rows[b], sem_g[b])
        return carry

    lax.fori_loop(0, nchunk // NBUF, chunk_step, 0)

    for b in range(NBUF):
        pltpu.make_async_copy(rows[b],
                              out_hbm.at[pl.ds(base, R)], sem_s[b]).wait()
    pltpu.sync_copy(acc_v, part_hbm.at[wid])


def kernel(idx, targets, token_embedding_table):
    Bv, Tv = idx.shape
    N = Bv * Tv
    per_w = N // NW
    nchunk = per_w // R

    idx_f = idx.reshape(N)
    tgt_f = targets.reshape(N)

    lse = pl.pallas_call(
        _lse_body,
        out_shape=jax.ShapeDtypeStruct((V, 1), jnp.float32),
    )(token_embedding_table).reshape(V)

    mesh = plsc.VectorSubcoreMesh(core_axis_name="c", subcore_axis_name="s")
    sc = functools.partial(
        pl.kernel,
        mesh=mesh,
        compiler_params=pltpu.CompilerParams(
            use_tc_tiling_on_sc=False, needs_layout_passes=False),
        out_type=[
            jax.ShapeDtypeStruct((N, V), jnp.float32),
            jax.ShapeDtypeStruct((NW, L), jnp.float32),
        ],
        scratch_types=(
            [
                pltpu.VMEM_SHARED((V, V), jnp.float32),
                pltpu.VMEM((per_w,), jnp.int32),
                pltpu.VMEM((per_w,), jnp.int32),
                pltpu.VMEM((V,), jnp.float32),
                pltpu.VMEM((L,), jnp.float32),
            ]
            + [pltpu.VMEM((R, V), jnp.float32)] * NBUF
            + [pltpu.SemaphoreType.DMA] * (2 * NBUF)
        ),
    )(functools.partial(_sc_body, nchunk, per_w))

    logits, partials = sc(token_embedding_table, idx_f, tgt_f, lse)
    loss = jnp.sum(partials) / N
    return (logits, loss)

# --- scband reference (transcript-rebuilt; emitter-appended) ---
"""Pipeline reference for scband-bigram-language-model-44461501448272 (READ-ONLY COPY).

The authoritative reference and input builder live on the scoring server;
editing this copy changes nothing except your own understanding.
"""

import jax, jax.numpy as jnp
import numpy as np

VOCAB = 1000
B, T = 1024, 200

def setup_inputs(seed: int = 0) -> dict:
    key = jax.random.key(seed)
    k1, k2, k3 = jax.random.split(key, 3)
    idx = jax.random.randint(k1, (B, T), 0, VOCAB, dtype=jnp.int32)
    targets = jax.random.randint(k2, (B, T), 0, VOCAB, dtype=jnp.int32)
    # nn.Embedding default init: N(0, 1)
    token_embedding_table = jax.random.normal(k3, (VOCAB, VOCAB), dtype=jnp.float32)
    return {"idx": idx, "targets": targets, "token_embedding_table": token_embedding_table}

def reference(idx, targets, token_embedding_table):
    # logits = self.token_embedding_table(idx)
    logits = jnp.take(token_embedding_table, idx, axis=0)  # [B, T, C]
    Bv, Tv, C = logits.shape
    logits = logits.reshape(Bv * Tv, C)
    t = targets.reshape(Bv * Tv)
    # F.cross_entropy(logits, targets): mean NLL with log-softmax
    logp = jax.nn.log_softmax(logits, axis=-1)
    nll = -jnp.take_along_axis(logp, t[:, None], axis=1)[:, 0]
    loss = jnp.mean(nll)
    return (logits, loss)

if __name__ == "__main__":
    import jax
    _d = setup_inputs()
    print(jax.jit(kernel)(*tuple(_d.values())))

</pallas_src>

<mosaic_0001>
#map = affine_map<(d0, d1) -> (0, 0)>
#map1 = affine_map<(d0, d1) -> (0)>
module attributes {stable_mosaic.version = 14 : i64} {
  func.func @_sc_body(%arg0: i32, %arg1: i32, %arg2: memref<1000x1000xf32, #tpu.memory_space<hbm>>, %arg3: memref<204800xi32, #tpu.memory_space<hbm>>, %arg4: memref<204800xi32, #tpu.memory_space<hbm>>, %arg5: memref<1000xf32, #tpu.memory_space<hbm>>, %arg6: memref<204800x1000xf32, #tpu.memory_space<hbm>>, %arg7: memref<32x16xf32, #tpu.memory_space<hbm>>, %arg8: memref<1000x1000xf32, #tpu.memory_space<vmem_shared>>, %arg9: memref<6400xi32, #tpu.memory_space<vmem>>, %arg10: memref<6400xi32, #tpu.memory_space<vmem>>, %arg11: memref<1000xf32, #tpu.memory_space<vmem>>, %arg12: memref<16xf32, #tpu.memory_space<vmem>>, %arg13: memref<16x1000xf32, #tpu.memory_space<vmem>>, %arg14: memref<16x1000xf32, #tpu.memory_space<vmem>>, %arg15: memref<!tpu.dma_semaphore, #tpu.memory_space<semaphore_mem>>, %arg16: memref<!tpu.dma_semaphore, #tpu.memory_space<semaphore_mem>>, %arg17: memref<!tpu.dma_semaphore, #tpu.memory_space<semaphore_mem>>, %arg18: memref<!tpu.dma_semaphore, #tpu.memory_space<semaphore_mem>>) attributes {dimension_semantics = [#tpu.dimension_semantics<core_parallel>, #tpu.dimension_semantics<subcore_parallel>], iteration_bounds = array<i64: 2, 16>, scalar_prefetch = 0 : i64, scratch_operands = 11 : i64, tpu.core_type = #tpu.core_type<sc_vector_subcore>, window_params = [{transform_indices = #map}, {transform_indices = #map1}, {transform_indices = #map1}, {transform_indices = #map1}, {transform_indices = #map}, {transform_indices = #map}]} {
    %mul3A = arith.constant 2 : i32
    %mul3A_0 = arith.muli %arg1, %mul3A : i32
    %add3A = arith.addi %mul3A_0, %arg0 : i32
    %mul3A_1 = arith.constant 6400 : i32
    %mul3A_2 = arith.muli %add3A, %mul3A_1 : i32
    %mul3A_3 = arith.constant 62 : i32
    %mul3A_4 = arith.muli %arg1, %mul3A_3 : i32
    %mul3A_5 = arith.constant 62 : i32
    %mul3A_6 = arith.muli %arg1, %mul3A_5 : i32
    "tpu.region"() ({
      %run_scoped3A = tpu.sem_alloc : memref<!tpu.dma_semaphore, #tpu.memory_space<semaphore_mem>>
      %dma_start3A_32 = arith.constant 0 : i32
      %dma_start3A_33 = tpu.memref_slice %arg8[%mul3A_6, %dma_start3A_32] : memref<1000x1000xf32, #tpu.memory_space<vmem_shared>> -> memref<62x1000xf32, #tpu.memory_space<vmem_shared>>
      %dma_start3A_34 = arith.constant 0 : i32
      %dma_start3A_35 = tpu.memref_slice %arg2[%mul3A_4, %dma_start3A_34] : memref<1000x1000xf32, #tpu.memory_space<hbm>> -> memref<62x1000xf32, #tpu.memory_space<hbm>>
      tpu.enqueue_dma source(%dma_start3A_35 : memref<62x1000xf32, #tpu.memory_space<hbm>>) target(%dma_start3A_33 : memref<62x1000xf32, #tpu.memory_space<vmem_shared>>) target_semaphore(%run_scoped3A : memref<!tpu.dma_semaphore, #tpu.memory_space<semaphore_mem>>)
      %dma_wait3A_36 = arith.constant 0 : i32
      %dma_wait3A_37 = tpu.memref_slice %arg8[%mul3A_6, %dma_wait3A_36] : memref<1000x1000xf32, #tpu.memory_space<vmem_shared>> -> memref<62x1000xf32, #tpu.memory_space<vmem_shared>>
      %dma_wait3A_38 = arith.constant 0 : i32
      %dma_wait3A_39 = tpu.memref_slice %arg2[%mul3A_4, %dma_wait3A_38] : memref<1000x1000xf32, #tpu.memory_space<hbm>> -> memref<62x1000xf32, #tpu.memory_space<hbm>>
      tpu.wait_dma2 semaphore(%run_scoped3A : memref<!tpu.dma_semaphore, #tpu.memory_space<semaphore_mem>>) src(%dma_wait3A_39 : memref<62x1000xf32, #tpu.memory_space<hbm>>) dst(%dma_wait3A_37 : memref<62x1000xf32, #tpu.memory_space<vmem_shared>>)
      tpu.yield
    }) : () -> ()
    %eq3A = arith.constant 0 : i32
    %eq3A_7 = arith.cmpi eq, %arg1, %eq3A : i32
    %convert_element_type3A = arith.extui %eq3A_7 : i1 to i32
    %cond3A = arith.constant 0 : i32
    %cond3A_8 = arith.cmpi ne, %convert_element_type3A, %cond3A : i32
    scf.if %cond3A_8 {
      "tpu.region"() ({
        %run_scoped3A = tpu.sem_alloc : memref<!tpu.dma_semaphore, #tpu.memory_space<semaphore_mem>>
        %dma_start3A_32 = arith.constant 992 : i32
        %dma_start3A_33 = arith.constant 0 : i32
        %dma_start3A_34 = tpu.memref_slice %arg8[%dma_start3A_32, %dma_start3A_33] : memref<1000x1000xf32, #tpu.memory_space<vmem_shared>> -> memref<8x1000xf32, #tpu.memory_space<vmem_shared>>
        %dma_start3A_35 = arith.constant 992 : i32
        %dma_start3A_36 = arith.constant 0 : i32
        %dma_start3A_37 = tpu.memref_slice %arg2[%dma_start3A_35, %dma_start3A_36] : memref<1000x1000xf32, #tpu.memory_space<hbm>> -> memref<8x1000xf32, #tpu.memory_space<hbm>>
        tpu.enqueue_dma source(%dma_start3A_37 : memref<8x1000xf32, #tpu.memory_space<hbm>>) target(%dma_start3A_34 : memref<8x1000xf32, #tpu.memory_space<vmem_shared>>) target_semaphore(%run_scoped3A : memref<!tpu.dma_semaphore, #tpu.memory_space<semaphore_mem>>)
        %dma_wait3A_38 = arith.constant 992 : i32
        %dma_wait3A_39 = arith.constant 0 : i32
        %dma_wait3A_40 = tpu.memref_slice %arg8[%dma_wait3A_38, %dma_wait3A_39] : memref<1000x1000xf32, #tpu.memory_space<vmem_shared>> -> memref<8x1000xf32, #tpu.memory_space<vmem_shared>>
        %dma_wait3A_41 = arith.constant 992 : i32
        %dma_wait3A_42 = arith.constant 0 : i32
        %dma_wait3A_43 = tpu.memref_slice %arg2[%dma_wait3A_41, %dma_wait3A_42] : memref<1000x1000xf32, #tpu.memory_space<hbm>> -> memref<8x1000xf32, #tpu.memory_space<hbm>>
        tpu.wait_dma2 semaphore(%run_scoped3A : memref<!tpu.dma_semaphore, #tpu.memory_space<semaphore_mem>>) src(%dma_wait3A_43 : memref<8x1000xf32, #tpu.memory_space<hbm>>) dst(%dma_wait3A_40 : memref<8x1000xf32, #tpu.memory_space<vmem_shared>>)
        tpu.yield
      }) : () -> ()
    } else {
    }
    "tpu.region"() ({
      %run_scoped3A = tpu.sem_alloc : memref<!tpu.dma_semaphore, #tpu.memory_space<semaphore_mem>>
      %dma_start3A_32 = tpu.memref_slice %arg3[%mul3A_2] : memref<204800xi32, #tpu.memory_space<hbm>> -> memref<6400xi32, #tpu.memory_space<hbm>>
      %dma_start3A_33 = tpu.memref_slice %arg3[%mul3A_2] : memref<204800xi32, #tpu.memory_space<hbm>> -> memref<6400xi32, #tpu.memory_space<hbm>>
      tpu.enqueue_dma source(%dma_start3A_33 : memref<6400xi32, #tpu.memory_space<hbm>>) target(%arg9 : memref<6400xi32, #tpu.memory_space<vmem>>) target_semaphore(%run_scoped3A : memref<!tpu.dma_semaphore, #tpu.memory_space<semaphore_mem>>)
      %dma_wait3A_34 = tpu.memref_slice %arg3[%mul3A_2] : memref<204800xi32, #tpu.memory_space<hbm>> -> memref<6400xi32, #tpu.memory_space<hbm>>
      %dma_wait3A_35 = tpu.memref_slice %arg3[%mul3A_2] : memref<204800xi32, #tpu.memory_space<hbm>> -> memref<6400xi32, #tpu.memory_space<hbm>>
      tpu.wait_dma2 semaphore(%run_scoped3A : memref<!tpu.dma_semaphore, #tpu.memory_space<semaphore_mem>>) src(%dma_wait3A_35 : memref<6400xi32, #tpu.memory_space<hbm>>) dst(%arg9 : memref<6400xi32, #tpu.memory_space<vmem>>)
      tpu.yield
    }) : () -> ()
    "tpu.region"() ({
      %run_scoped3A = tpu.sem_alloc : memref<!tpu.dma_semaphore, #tpu.memory_space<semaphore_mem>>
      %dma_start3A_32 = tpu.memref_slice %arg4[%mul3A_2] : memref<204800xi32, #tpu.memory_space<hbm>> -> memref<6400xi32, #tpu.memory_space<hbm>>
      %dma_start3A_33 = tpu.memref_slice %arg4[%mul3A_2] : memref<204800xi32, #tpu.memory_space<hbm>> -> memref<6400xi32, #tpu.memory_space<hbm>>
      tpu.enqueue_dma source(%dma_start3A_33 : memref<6400xi32, #tpu.memory_space<hbm>>) target(%arg10 : memref<6400xi32, #tpu.memory_space<vmem>>) target_semaphore(%run_scoped3A : memref<!tpu.dma_semaphore, #tpu.memory_space<semaphore_mem>>)
      %dma_wait3A_34 = tpu.memref_slice %arg4[%mul3A_2] : memref<204800xi32, #tpu.memory_space<hbm>> -> memref<6400xi32, #tpu.memory_space<hbm>>
      %dma_wait3A_35 = tpu.memref_slice %arg4[%mul3A_2] : memref<204800xi32, #tpu.memory_space<hbm>> -> memref<6400xi32, #tpu.memory_space<hbm>>
      tpu.wait_dma2 semaphore(%run_scoped3A : memref<!tpu.dma_semaphore, #tpu.memory_space<semaphore_mem>>) src(%dma_wait3A_35 : memref<6400xi32, #tpu.memory_space<hbm>>) dst(%arg10 : memref<6400xi32, #tpu.memory_space<vmem>>)
      tpu.yield
    }) : () -> ()
    "tpu.region"() ({
      %run_scoped3A = tpu.sem_alloc : memref<!tpu.dma_semaphore, #tpu.memory_space<semaphore_mem>>
      tpu.enqueue_dma source(%arg5 : memref<1000xf32, #tpu.memory_space<hbm>>) target(%arg11 : memref<1000xf32, #tpu.memory_space<vmem>>) target_semaphore(%run_scoped3A : memref<!tpu.dma_semaphore, #tpu.memory_space<semaphore_mem>>)
      tpu.wait_dma2 semaphore(%run_scoped3A : memref<!tpu.dma_semaphore, #tpu.memory_space<semaphore_mem>>) src(%arg5 : memref<1000xf32, #tpu.memory_space<hbm>>) dst(%arg11 : memref<1000xf32, #tpu.memory_space<vmem>>)
      tpu.yield
    }) : () -> ()
    %broadcast_in_dim3A = arith.constant 0.000000e+00 : f32
    %broadcast_in_dim3A_9 = vector.broadcast %broadcast_in_dim3A : f32 to vector<16xf32>
    %swap3A = arith.constant 0 : index
    %swap3A_10 = tpu.vector_load %arg12[%swap3A] {strides = array<i32>} : memref<16xf32, #tpu.memory_space<vmem>>, vector<16xf32>,
    tpu.vector_store %arg12[%swap3A], %broadcast_in_dim3A_9 {strides = array<i32>} : memref<16xf32, #tpu.memory_space<vmem>>, vector<16xf32>,
    %iota3A = tpu.iota {dimensions = array<i32: 0>} : vector<16xi32>
    %barrier3A = arith.constant 0 : index
    tpu.barrier barrier_id(%barrier3A)
    %dma_start3A = arith.constant 0 : i32
    %dma_start3A_11 = tpu.memref_slice %arg9[%dma_start3A] : memref<6400xi32, #tpu.memory_space<vmem>> -> memref<16xi32, #tpu.memory_space<vmem>>
    %dma_start3A_12 = arith.constant 0 : i32
    %dma_start3A_13 = arith.constant 0 : i32
    %dma_start3A_14 = tpu.memref_slice %arg8[%dma_start3A_12, %dma_start3A_13] : memref<1000x1000xf32, #tpu.memory_space<vmem_shared>> -> memref<1000x1000xf32, #tpu.memory_space<vmem_shared>>
    tpu.enqueue_indirect_dma source(%dma_start3A_14 : memref<1000x1000xf32, #tpu.memory_space<vmem_shared>>) target(%arg13 : memref<16x1000xf32, #tpu.memory_space<vmem>>) offsets(%dma_start3A_11 : memref<16xi32, #tpu.memory_space<vmem>>) semaphore(%arg15 : memref<!tpu.dma_semaphore, #tpu.memory_space<semaphore_mem>>)
    %dma_start3A_15 = arith.constant 16 : i32
    %dma_start3A_16 = tpu.memref_slice %arg9[%dma_start3A_15] : memref<6400xi32, #tpu.memory_space<vmem>> -> memref<16xi32, #tpu.memory_space<vmem>>
    %dma_start3A_17 = arith.constant 0 : i32
    %dma_start3A_18 = arith.constant 0 : i32
    %dma_start3A_19 = tpu.memref_slice %arg8[%dma_start3A_17, %dma_start3A_18] : memref<1000x1000xf32, #tpu.memory_space<vmem_shared>> -> memref<1000x1000xf32, #tpu.memory_space<vmem_shared>>
    tpu.enqueue_indirect_dma source(%dma_start3A_19 : memref<1000x1000xf32, #tpu.memory_space<vmem_shared>>) target(%arg14 : memref<16x1000xf32, #tpu.memory_space<vmem>>) offsets(%dma_start3A_16 : memref<16xi32, #tpu.memory_space<vmem>>) semaphore(%arg16 : memref<!tpu.dma_semaphore, #tpu.memory_space<semaphore_mem>>)
    %scan3A = arith.constant 0 : i32
    %scan3A_20 = arith.constant 0 : i32
    %scan3A_21 = arith.constant 200 : i32
    %scan3A_22 = arith.addi %scan3A_20, %scan3A_21 : i32
    %scan3A_23 = arith.constant 1 : i32
    scf.for %scan3A_32 = %scan3A_20 to %scan3A_22 step %scan3A_23  : i32 {
      %mul3A_33 = arith.constant 2 : i32
      %mul3A_34 = arith.muli %scan3A_32, %mul3A_33 : i32
      %add3A_35 = arith.constant 0 : i32
      %add3A_36 = arith.addi %mul3A_34, %add3A_35 : i32
      %dma_wait3A_37 = arith.constant 0 : i32
      %dma_wait3A_38 = arith.constant 0 : i32
      %dma_wait3A_39 = tpu.memref_slice %arg8[%dma_wait3A_37, %dma_wait3A_38] : memref<1000x1000xf32, #tpu.memory_space<vmem_shared>> -> memref<16x1000xf32, #tpu.memory_space<vmem_shared>>
      %dma_wait3A_40 = arith.constant 0 : i32
      %dma_wait3A_41 = arith.constant 0 : i32
      %dma_wait3A_42 = tpu.memref_slice %arg8[%dma_wait3A_40, %dma_wait3A_41] : memref<1000x1000xf32, #tpu.memory_space<vmem_shared>> -> memref<16x1000xf32, #tpu.memory_space<vmem_shared>>
      tpu.wait_dma2 semaphore(%arg15 : memref<!tpu.dma_semaphore, #tpu.memory_space<semaphore_mem>>) src(%dma_wait3A_42 : memref<16x1000xf32, #tpu.memory_space<vmem_shared>>) dst(%arg13 : memref<16x1000xf32, #tpu.memory_space<vmem>>)
      %get3A = arith.constant 0 : index
      %get3A_43 = tpu.vector_load %arg12[%get3A] {strides = array<i32>} : memref<16xf32, #tpu.memory_space<vmem>>, vector<16xf32>,
      %mul3A_44 = arith.constant 16 : i32
      %mul3A_45 = arith.muli %add3A_36, %mul3A_44 : i32
      %add3A_46 = arith.constant 0 : i32
      %add3A_47 = arith.addi %mul3A_45, %add3A_46 : i32
      %get3A_48 = arith.index_cast %add3A_47 : i32 to index
      %get3A_49 = tpu.vector_load %arg9[%get3A_48] {strides = array<i32>} : memref<6400xi32, #tpu.memory_space<vmem>>, vector<16xi32>,
      %mul3A_50 = arith.constant 16 : i32
      %mul3A_51 = arith.muli %add3A_36, %mul3A_50 : i32
      %add3A_52 = arith.constant 0 : i32
      %add3A_53 = arith.addi %mul3A_51, %add3A_52 : i32
      %get3A_54 = arith.index_cast %add3A_53 : i32 to index
      %get3A_55 = tpu.vector_load %arg10[%get3A_54] {strides = array<i32>} : memref<6400xi32, #tpu.memory_space<vmem>>, vector<16xi32>,
      %gather3A = tpu.vector_load_idx %arg11[%get3A_49] : memref<1000xf32, #tpu.memory_space<vmem>>[vector<16xi32>], vector<16xf32>,
      %add3A_56 = arith.constant 0 : i32
      %add3A_57 = vector.broadcast %add3A_56 : i32 to vector<16xi32>
      %add3A_58 = arith.addi %iota3A, %add3A_57 : vector<16xi32>
      %gather3A_59 = tpu.vector_load_idx %arg13[%add3A_58, %get3A_55] : memref<16x1000xf32, #tpu.memory_space<vmem>>[vector<16xi32>, vector<16xi32>], vector<16xf32>,
      %sub3A = arith.subf %gather3A, %gather3A_59 : vector<16xf32>
      %add3A_60 = arith.addf %get3A_43, %sub3A : vector<16xf32>
      %swap3A_61 = arith.constant 0 : index
      %swap3A_62 = tpu.vector_load %arg12[%swap3A_61] {strides = array<i32>} : memref<16xf32, #tpu.memory_space<vmem>>, vector<16xf32>,
      tpu.vector_store %arg12[%swap3A_61], %add3A_60 {strides = array<i32>} : memref<16xf32, #tpu.memory_space<vmem>>, vector<16xf32>,
      %mul3A_63 = arith.constant 16 : i32
      %mul3A_64 = arith.muli %add3A_36, %mul3A_63 : i32
      %add3A_65 = arith.addi %mul3A_2, %mul3A_64 : i32
      %dma_start3A_66 = arith.constant 0 : i32
      %dma_start3A_67 = tpu.memref_slice %arg6[%add3A_65, %dma_start3A_66] : memref<204800x1000xf32, #tpu.memory_space<hbm>> -> memref<16x1000xf32, #tpu.memory_space<hbm>>
      %dma_start3A_68 = arith.constant 0 : i32
      %dma_start3A_69 = tpu.memref_slice %arg6[%add3A_65, %dma_start3A_68] : memref<204800x1000xf32, #tpu.memory_space<hbm>> -> memref<16x1000xf32, #tpu.memory_space<hbm>>
      tpu.enqueue_dma source(%arg13 : memref<16x1000xf32, #tpu.memory_space<vmem>>) target(%dma_start3A_69 : memref<16x1000xf32, #tpu.memory_space<hbm>>) target_semaphore(%arg17 : memref<!tpu.dma_semaphore, #tpu.memory_space<semaphore_mem>>)
      %add3A_70 = arith.constant 2 : i32
      %add3A_71 = arith.addi %add3A_36, %add3A_70 : i32
      %lt3A = arith.constant 400 : i32
      %lt3A_72 = arith.cmpi slt, %add3A_71, %lt3A : i32
      %convert_element_type3A_73 = arith.extui %lt3A_72 : i1 to i32
      %cond3A_74 = arith.constant 0 : i32
      %cond3A_75 = arith.cmpi ne, %convert_element_type3A_73, %cond3A_74 : i32
      scf.if %cond3A_75 {
        %dma_wait3A_123 = arith.constant 0 : i32
        %dma_wait3A_124 = tpu.memref_slice %arg6[%add3A_65, %dma_wait3A_123] : memref<204800x1000xf32, #tpu.memory_space<hbm>> -> memref<16x1000xf32, #tpu.memory_space<hbm>>
        %dma_wait3A_125 = arith.constant 0 : i32
        %dma_wait3A_126 = tpu.memref_slice %arg6[%add3A_65, %dma_wait3A_125] : memref<204800x1000xf32, #tpu.memory_space<hbm>> -> memref<16x1000xf32, #tpu.memory_space<hbm>>
        tpu.wait_dma2 semaphore(%arg17 : memref<!tpu.dma_semaphore, #tpu.memory_space<semaphore_mem>>) src(%arg13 : memref<16x1000xf32, #tpu.memory_space<vmem>>) dst(%dma_wait3A_126 : memref<16x1000xf32, #tpu.memory_space<hbm>>)
        %mul3A_127 = arith.constant 16 : i32
        %mul3A_128 = arith.muli %add3A_71, %mul3A_127 : i32
        %dma_start3A_129 = tpu.memref_slice %arg9[%mul3A_128] : memref<6400xi32, #tpu.memory_space<vmem>> -> memref<16xi32, #tpu.memory_space<vmem>>
        %dma_start3A_130 = arith.constant 0 : i32
        %dma_start3A_131 = arith.constant 0 : i32
        %dma_start3A_132 = tpu.memref_slice %arg8[%dma_start3A_130, %dma_start3A_131] : memref<1000x1000xf32, #tpu.memory_space<vmem_shared>> -> memref<1000x1000xf32, #tpu.memory_space<vmem_shared>>
        tpu.enqueue_indirect_dma source(%dma_start3A_132 : memref<1000x1000xf32, #tpu.memory_space<vmem_shared>>) target(%arg13 : memref<16x1000xf32, #tpu.memory_space<vmem>>) offsets(%dma_start3A_129 : memref<16xi32, #tpu.memory_space<vmem>>) semaphore(%arg15 : memref<!tpu.dma_semaphore, #tpu.memory_space<semaphore_mem>>)
      } else {
      }
      %mul3A_76 = arith.constant 2 : i32
      %mul3A_77 = arith.muli %scan3A_32, %mul3A_76 : i32
      %add3A_78 = arith.constant 1 : i32
      %add3A_79 = arith.addi %mul3A_77, %add3A_78 : i32
      %dma_wait3A_80 = arith.constant 0 : i32
      %dma_wait3A_81 = arith.constant 0 : i32
      %dma_wait3A_82 = tpu.memref_slice %arg8[%dma_wait3A_80, %dma_wait3A_81] : memref<1000x1000xf32, #tpu.memory_space<vmem_shared>> -> memref<16x1000xf32, #tpu.memory_space<vmem_shared>>
      %dma_wait3A_83 = arith.constant 0 : i32
      %dma_wait3A_84 = arith.constant 0 : i32
      %dma_wait3A_85 = tpu.memref_slice %arg8[%dma_wait3A_83, %dma_wait3A_84] : memref<1000x1000xf32, #tpu.memory_space<vmem_shared>> -> memref<16x1000xf32, #tpu.memory_space<vmem_shared>>
      tpu.wait_dma2 semaphore(%arg16 : memref<!tpu.dma_semaphore, #tpu.memory_space<semaphore_mem>>) src(%dma_wait3A_85 : memref<16x1000xf32, #tpu.memory_space<vmem_shared>>) dst(%arg14 : memref<16x1000xf32, #tpu.memory_space<vmem>>)
      %get3A_86 = arith.constant 0 : index
      %get3A_87 = tpu.vector_load %arg12[%get3A_86] {strides = array<i32>} : memref<16xf32, #tpu.memory_space<vmem>>, vector<16xf32>,
      %mul3A_88 = arith.constant 16 : i32
      %mul3A_89 = arith.muli %add3A_79, %mul3A_88 : i32
      %add3A_90 = arith.constant 0 : i32
      %add3A_91 = arith.addi %mul3A_89, %add3A_90 : i32
      %get3A_92 = arith.index_cast %add3A_91 : i32 to index
      %get3A_93 = tpu.vector_load %arg9[%get3A_92] {strides = array<i32>} : memref<6400xi32, #tpu.memory_space<vmem>>, vector<16xi32>,
      %mul3A_94 = arith.constant 16 : i32
      %mul3A_95 = arith.muli %add3A_79, %mul3A_94 : i32
      %add3A_96 = arith.constant 0 : i32
      %add3A_97 = arith.addi %mul3A_95, %add3A_96 : i32
      %get3A_98 = arith.index_cast %add3A_97 : i32 to index
      %get3A_99 = tpu.vector_load %arg10[%get3A_98] {strides = array<i32>} : memref<6400xi32, #tpu.memory_space<vmem>>, vector<16xi32>,
      %gather3A_100 = tpu.vector_load_idx %arg11[%get3A_93] : memref<1000xf32, #tpu.memory_space<vmem>>[vector<16xi32>], vector<16xf32>,
      %add3A_101 = arith.constant 0 : i32
      %add3A_102 = vector.broadcast %add3A_101 : i32 to vector<16xi32>
      %add3A_103 = arith.addi %iota3A, %add3A_102 : vector<16xi32>
      %gather3A_104 = tpu.vector_load_idx %arg14[%add3A_103, %get3A_99] : memref<16x1000xf32, #tpu.memory_space<vmem>>[vector<16xi32>, vector<16xi32>], vector<16xf32>,
      %sub3A_105 = arith.subf %gather3A_100, %gather3A_104 : vector<16xf32>
      %add3A_106 = arith.addf %get3A_87, %sub3A_105 : vector<16xf32>
      %swap3A_107 = arith.constant 0 : index
      %swap3A_108 = tpu.vector_load %arg12[%swap3A_107] {strides = array<i32>} : memref<16xf32, #tpu.memory_space<vmem>>, vector<16xf32>,
      tpu.vector_store %arg12[%swap3A_107], %add3A_106 {strides = array<i32>} : memref<16xf32, #tpu.memory_space<vmem>>, vector<16xf32>,
      %mul3A_109 = arith.constant 16 : i32
      %mul3A_110 = arith.muli %add3A_79, %mul3A_109 : i32
      %add3A_111 = arith.addi %mul3A_2, %mul3A_110 : i32
      %dma_start3A_112 = arith.constant 0 : i32
      %dma_start3A_113 = tpu.memref_slice %arg6[%add3A_111, %dma_start3A_112] : memref<204800x1000xf32, #tpu.memory_space<hbm>> -> memref<16x1000xf32, #tpu.memory_space<hbm>>
      %dma_start3A_114 = arith.constant 0 : i32
      %dma_start3A_115 = tpu.memref_slice %arg6[%add3A_111, %dma_start3A_114] : memref<204800x1000xf32, #tpu.memory_space<hbm>> -> memref<16x1000xf32, #tpu.memory_space<hbm>>
      tpu.enqueue_dma source(%arg14 : memref<16x1000xf32, #tpu.memory_space<vmem>>) target(%dma_start3A_115 : memref<16x1000xf32, #tpu.memory_space<hbm>>) target_semaphore(%arg18 : memref<!tpu.dma_semaphore, #tpu.memory_space<semaphore_mem>>)
      %add3A_116 = arith.constant 2 : i32
      %add3A_117 = arith.addi %add3A_79, %add3A_116 : i32
      %lt3A_118 = arith.constant 400 : i32
      %lt3A_119 = arith.cmpi slt, %add3A_117, %lt3A_118 : i32
      %convert_element_type3A_120 = arith.extui %lt3A_119 : i1 to i32
      %cond3A_121 = arith.constant 0 : i32
      %cond3A_122 = arith.cmpi ne, %convert_element_type3A_120, %cond3A_121 : i32
      scf.if %cond3A_122 {
        %dma_wait3A_123 = arith.constant 0 : i32
        %dma_wait3A_124 = tpu.memref_slice %arg6[%add3A_111, %dma_wait3A_123] : memref<204800x1000xf32, #tpu.memory_space<hbm>> -> memref<16x1000xf32, #tpu.memory_space<hbm>>
        %dma_wait3A_125 = arith.constant 0 : i32
        %dma_wait3A_126 = tpu.memref_slice %arg6[%add3A_111, %dma_wait3A_125] : memref<204800x1000xf32, #tpu.memory_space<hbm>> -> memref<16x1000xf32, #tpu.memory_space<hbm>>
        tpu.wait_dma2 semaphore(%arg18 : memref<!tpu.dma_semaphore, #tpu.memory_space<semaphore_mem>>) src(%arg14 : memref<16x1000xf32, #tpu.memory_space<vmem>>) dst(%dma_wait3A_126 : memref<16x1000xf32, #tpu.memory_space<hbm>>)
        %mul3A_127 = arith.constant 16 : i32
        %mul3A_128 = arith.muli %add3A_117, %mul3A_127 : i32
        %dma_start3A_129 = tpu.memref_slice %arg9[%mul3A_128] : memref<6400xi32, #tpu.memory_space<vmem>> -> memref<16xi32, #tpu.memory_space<vmem>>
        %dma_start3A_130 = arith.constant 0 : i32
        %dma_start3A_131 = arith.constant 0 : i32
        %dma_start3A_132 = tpu.memref_slice %arg8[%dma_start3A_130, %dma_start3A_131] : memref<1000x1000xf32, #tpu.memory_space<vmem_shared>> -> memref<1000x1000xf32, #tpu.memory_space<vmem_shared>>
        tpu.enqueue_indirect_dma source(%dma_start3A_132 : memref<1000x1000xf32, #tpu.memory_space<vmem_shared>>) target(%arg14 : memref<16x1000xf32, #tpu.memory_space<vmem>>) offsets(%dma_start3A_129 : memref<16xi32, #tpu.memory_space<vmem>>) semaphore(%arg16 : memref<!tpu.dma_semaphore, #tpu.memory_space<semaphore_mem>>)
      } else {
      }
    }
    %scan3A_24 = arith.constant 200 : i32
    %dma_wait3A = arith.constant 0 : i32
    %dma_wait3A_25 = tpu.memref_slice %arg6[%mul3A_2, %dma_wait3A] : memref<204800x1000xf32, #tpu.memory_space<hbm>> -> memref<16x1000xf32, #tpu.memory_space<hbm>>
    %dma_wait3A_26 = arith.constant 0 : i32
    %dma_wait3A_27 = tpu.memref_slice %arg6[%mul3A_2, %dma_wait3A_26] : memref<204800x1000xf32, #tpu.memory_space<hbm>> -> memref<16x1000xf32, #tpu.memory_space<hbm>>
    tpu.wait_dma2 semaphore(%arg17 : memref<!tpu.dma_semaphore, #tpu.memory_space<semaphore_mem>>) src(%arg13 : memref<16x1000xf32, #tpu.memory_space<vmem>>) dst(%dma_wait3A_27 : memref<16x1000xf32, #tpu.memory_space<hbm>>)
    %dma_wait3A_28 = arith.constant 0 : i32
    %dma_wait3A_29 = tpu.memref_slice %arg6[%mul3A_2, %dma_wait3A_28] : memref<204800x1000xf32, #tpu.memory_space<hbm>> -> memref<16x1000xf32, #tpu.memory_space<hbm>>
    %dma_wait3A_30 = arith.constant 0 : i32
    %dma_wait3A_31 = tpu.memref_slice %arg6[%mul3A_2, %dma_wait3A_30] : memref<204800x1000xf32, #tpu.memory_space<hbm>> -> memref<16x1000xf32, #tpu.memory_space<hbm>>
    tpu.wait_dma2 semaphore(%arg18 : memref<!tpu.dma_semaphore, #tpu.memory_space<semaphore_mem>>) src(%arg14 : memref<16x1000xf32, #tpu.memory_space<vmem>>) dst(%dma_wait3A_31 : memref<16x1000xf32, #tpu.memory_space<hbm>>)
    "tpu.region"() ({
      %run_scoped3A = tpu.sem_alloc : memref<!tpu.dma_semaphore, #tpu.memory_space<semaphore_mem>>
      %dma_start3A_32 = arith.constant 0 : i32
      %dma_start3A_33 = tpu.memref_slice %arg7[%add3A, %dma_start3A_32] : memref<32x16xf32, #tpu.memory_space<hbm>> -> memref<1x16xf32, #tpu.memory_space<hbm>>
      %dma_start3A_34 = tpu.memref_squeeze %dma_start3A_33 : memref<1x16xf32, #tpu.memory_space<hbm>> -> memref<16xf32, #tpu.memory_space<hbm>>
      %dma_start3A_35 = arith.constant 0 : i32
      %dma_start3A_36 = tpu.memref_slice %arg7[%add3A, %dma_start3A_35] : memref<32x16xf32, #tpu.memory_space<hbm>> -> memref<1x16xf32, #tpu.memory_space<hbm>>
      %dma_start3A_37 = tpu.memref_squeeze %dma_start3A_36 : memref<1x16xf32, #tpu.memory_space<hbm>> -> memref<16xf32, #tpu.memory_space<hbm>>
      tpu.enqueue_dma source(%arg12 : memref<16xf32, #tpu.memory_space<vmem>>) target(%dma_start3A_37 : memref<16xf32, #tpu.memory_space<hbm>>) target_semaphore(%run_scoped3A : memref<!tpu.dma_semaphore, #tpu.memory_space<semaphore_mem>>)
      %dma_wait3A_38 = arith.constant 0 : i32
      %dma_wait3A_39 = tpu.memref_slice %arg7[%add3A, %dma_wait3A_38] : memref<32x16xf32, #tpu.memory_space<hbm>> -> memref<1x16xf32, #tpu.memory_space<hbm>>
      %dma_wait3A_40 = tpu.memref_squeeze %dma_wait3A_39 : memref<1x16xf32, #tpu.memory_space<hbm>> -> memref<16xf32, #tpu.memory_space<hbm>>
      %dma_wait3A_41 = arith.constant 0 : i32
      %dma_wait3A_42 = tpu.memref_slice %arg7[%add3A, %dma_wait3A_41] : memref<32x16xf32, #tpu.memory_space<hbm>> -> memref<1x16xf32, #tpu.memory_space<hbm>>
      %dma_wait3A_43 = tpu.memref_squeeze %dma_wait3A_42 : memref<1x16xf32, #tpu.memory_space<hbm>> -> memref<16xf32, #tpu.memory_space<hbm>>
      tpu.wait_dma2 semaphore(%run_scoped3A : memref<!tpu.dma_semaphore, #tpu.memory_space<semaphore_mem>>) src(%arg12 : memref<16xf32, #tpu.memory_space<vmem>>) dst(%dma_wait3A_43 : memref<16xf32, #tpu.memory_space<hbm>>)
      tpu.yield
    }) : () -> ()
    return
  }
}

module attributes {stable_mosaic.version = 14 : i64} {
  func.func @_lse_body(%arg0: memref<1000x1000xf32, #tpu.memory_space<vmem>>, %arg1: memref<1000x1xf32, #tpu.memory_space<vmem>>) attributes {dimension_semantics = [], scalar_prefetch = 0 : i64, scratch_operands = 0 : i64, tpu.core_type = #tpu.core_type<tc>} {
    %get3A = arith.constant 0 : index
    %get3A_0 = arith.constant 0 : index
    %get3A_1 = vector.load %arg0[%get3A, %get3A_0] : memref<1000x1000xf32, #tpu.memory_space<vmem>>, vector<1000x1000xf32>
    %reduce_max3A = arith.constant dense<0xFF800000> : vector<1000xf32>
    %reduce_max3A_2 = vector.multi_reduction <maximumf>, %get3A_1, %reduce_max3A [1] : vector<1000x1000xf32> to vector<1000xf32>
    %broadcast_in_dim3A = vector.shape_cast %reduce_max3A_2 : vector<1000xf32> to vector<1000x1xf32>
    %sub3A = vector.broadcast %broadcast_in_dim3A : vector<1000x1xf32> to vector<1000x1000xf32>
    %sub3A_3 = arith.subf %get3A_1, %sub3A : vector<1000x1000xf32>
    %exp3A = math.exp %sub3A_3 : vector<1000x1000xf32>
    %reduce_sum3A = arith.constant dense<0.000000e+00> : vector<1000xf32>
    %reduce_sum3A_4 = vector.multi_reduction <add>, %exp3A, %reduce_sum3A [1] : vector<1000x1000xf32> to vector<1000xf32>
    %broadcast_in_dim3A_5 = vector.shape_cast %reduce_sum3A_4 : vector<1000xf32> to vector<1000x1xf32>
    %log3A = math.log %broadcast_in_dim3A_5 : vector<1000x1xf32>
    %add3A = arith.addf %broadcast_in_dim3A, %log3A : vector<1000x1xf32>
    %swap3A = arith.constant 0 : index
    %swap3A_6 = arith.constant 0 : index
    %swap3A_7 = vector.load %arg1[%swap3A, %swap3A_6] : memref<1000x1xf32, #tpu.memory_space<vmem>>, vector<1000x1xf32>
    tpu.vector_store %arg1[%swap3A, %swap3A_6], %add3A {strides = array<i32>} : memref<1000x1xf32, #tpu.memory_space<vmem>>, vector<1000x1xf32>,
    return
  }
}

</mosaic_0001>

<sc_bundles>
// kernel: kernel.4.cloned.1.call-start
scs
__scs_entry_jumppad:
0x0: {  	(pc) =	sbr.rel $0x88, $3  }
0x1: {  	(tag) =	ssettag $0x0;
	lr =	simm.s32 $0x1  }
0x2: {  	[smem:$0x3F9E] =	sst lr;
	_ =	strace $0xD0000000  }
0x3: {  	_ = 	snop  }
0x4: {  	_ = 	snop  }
0x5: {  	_ = 	snop  }
0x6: {  	_ = 	snop  }
0x7: {  	_ = 	snop  }
__scs_overlays_trampoline_lowered:
0x8: {  	[smem:$0x3FAD] =	sst s0  }
0x9: {  	[smem:$0x3FAE] =	sst s1  }
0xa: {  	[smem:$0x3FAF] =	sst s2  }
0xb: {  	[smem:$0x3FB0] =	sst s3  }
0xc: {  	[smem:$0x3FB1] =	sst s4  }
0xd: {  	[smem:$0x3FB2] =	sst s5  }
0xe: {  	[smem:$0x3FB3] =	sst s6  }
0xf: {  	[smem:$0x3FB4] =	sst s7  }
0x10: {  	[smem:$0x3FB5] =	sst s8  }
0x11: {  	[smem:$0x3FB6] =	sst s9;
	s0 =	simm.s32 @!p0 $0x0  }
0x12: {  	s1 =	sld [smem:$0x3F9C];
	s0 =	simm.s32 @p0 $0x1  }
0x13: {  	[smem:$0x3FB7] =	sst s0;
	s0 =	simm.s32 @!p1 $0x0  }
0x14: {  	s2 =	sld [smem:$0x3F9B];
	s0 =	simm.s32 @p1 $0x1  }
0x15: {  	[smem:$0x3FB8] =	sst s0;
	s0 =	simm.s32 @!p2 $0x0  }
0x16: {  	s3 =	sld [smem:$0x3FDB];
	s0 =	simm.s32 @p2 $0x1  }
0x17: {  	s4 =	simm.s32 $0x1BF5;
	[smem:$0x3FBA] =	sst s0  }
0x18: {  	s0 =	sld [smem:$0x3F9D];
	_ =	swait.ge [sflag:s4], $0x0  }
0x19: {  	s7 =	sld [smem:$0x3F9E]  }
0x1a: {  	s8 =	sadd.s32 $0xFFFFE003, lr  }
0x1b: {  	s9 =	sadd.s32 $0xFFFFFEF7, lr;
	s5 =	simm.s32 $0xFFFFFFFF;
	p2 =	slt.u32 s8, $0xFFFFF086  }
0x1c: {  	p1 =	slt.u32 s9, $0xF7A;
	s5 =	simm.s32 @!p2 $0x0  }
0x1d: {  	s5 =	simm.s32 @p1 $0x1;
	p0 =	seq.s32 s7, s2  }
0x1e: {  	s7 =	smul.u32 @!p0 $0xF7A, s2;
	p2 =	seq.s32 @!p0 s5, $0x0  }
0x1f: {  	s9 =	smul.u32 $0xF7A, s1;
	s8 =	simm.s32 @!p0 $0x1BF5;
	p2 =	por !p2, p0  }
0x20: {  	[sflag:s8] =	ssyncset.s32 @!p0 $0xFFFFF086;
	s6 =	sadd.s32 @!p0 s3, s7;
	s7 =	simm.s32 @!p0 $0x108  }
0x21: {  	s3 =	sadd.s32 s3, s9;
	s6 =	sadd.s32 @!p0 $0x88, s6;
	s7 =	simm.s32 @p2 $0x1082  }
0x22: {  	[simem:s7], [sflag:s8] =	dma.local @!p0 [hbm:s6], $0xF7A  }
0x23: {  	s9 =	sor.u32 $0xD0000000, s2;
	s6 =	simm.s32 $0x108;
	_ =	swait.ge @!p0 [sflag:s8], $0x0  }
0x24: {  	s3 =	sadd.s32 $0x88, s3;
	s6 =	simm.s32 @!p1 $0x1082;
	[sflag:s4] =	ssyncset.s32 $0xFFFFF086  }
0x25: {  	[simem:s6], [sflag:s4] =	dma.local [hbm:s3], $0xF7A  }
0x26: {  	[smem:$0x3F9E] =	sst s1;
	(tag) =	ssettag s2;
	_ =	strace s9  }
0x27: {  	s1 =	sld [smem:$0x3FAE]  }
0x28: {  	s2 =	sld [smem:$0x3FAF]  }
0x29: {  	s4 =	sld [smem:$0x3FB1]  }
0x2a: {  	p0 =	seq.s32 s5, $0x0;
	s5 =	sld [smem:$0x3FB2]  }
0x2b: {  	s6 =	sld [smem:$0x3FB3]  }
0x2c: {  	s7 =	sld [smem:$0x3FB4]  }
0x2d: {  	s3 =	simm.s32 $0x108;
	s8 =	sld [smem:$0x3FB5]  }
0x2e: {  	s3 =	simm.s32 @!p0 $0x1082;
	s9 =	sld [smem:$0x3FB6]  }
0x2f: {  	lr =	sadd.s32 s0, s3;
	s0 =	sld [smem:$0x3FAD]  }
0x30: {  	s3 =	sld [smem:$0x3FB0]  }
0x31: {  	[smem:$0x3FB9] =	sst s10  }
0x32: {  	s10 =	sld [smem:$0x3FB7];
	_ =	sdelay $0x3  }
0x33: {  	p0 =	seq.s32 s10, $0x1;
	s10 =	sld [smem:$0x3FB9];
	_ =	sdelay $0x3  }
0x34: {  	[smem:$0x3FB9] =	sst s10  }
0x35: {  	s10 =	sld [smem:$0x3FB8];
	_ =	sdelay $0x3  }
0x36: {  	p1 =	seq.s32 s10, $0x1;
	s10 =	sld [smem:$0x3FB9];
	_ =	sdelay $0x3  }
0x37: {  	[smem:$0x3FB9] =	sst s10  }
0x38: {  	s10 =	sld [smem:$0x3FBA]  }
0x39: {  	_ = 	snop;
	(pc) =	sbr.ind lr, $3  }
0x3a: {  	_ = 	snop  }
0x3b: {  	_ = 	snop  }
0x3c: {  	p2 =	seq.s32 s10, $0x1;
	s10 =	sld [smem:$0x3FB9]  }
0x3d: {  	_ =	shalt  }
0x3e: {  	_ =	shalt  }
0x3f: {  	_ =	shalt  }
0x40: {  	_ =	shalt  }
0x41: {  	_ =	shalt  }
0x42: {  	_ =	shalt  }
0x43: {  	_ =	shalt  }
0x44: {  	_ =	shalt  }
0x45: {  	_ =	shalt  }
0x46: {  	_ =	shalt  }
0x47: {  	_ =	shalt  }
0x48: {  	_ =	shalt  }
0x49: {  	_ =	shalt  }
0x4a: {  	_ =	shalt  }
0x4b: {  	_ =	shalt  }
0x4c: {  	_ =	shalt  }
0x4d: {  	_ =	shalt  }
0x4e: {  	_ =	shalt  }
0x4f: {  	_ =	shalt  }
0x50: {  	_ =	shalt  }
0x51: {  	_ =	shalt  }
0x52: {  	_ =	shalt  }
0x53: {  	_ =	shalt  }
0x54: {  	_ =	shalt  }
0x55: {  	_ =	shalt  }
0x56: {  	_ =	shalt  }
0x57: {  	_ =	shalt  }
0x58: {  	_ =	shalt  }
0x59: {  	_ =	shalt  }
0x5a: {  	_ =	shalt  }
0x5b: {  	_ =	shalt  }
0x5c: {  	_ =	shalt  }
0x5d: {  	_ =	shalt  }
0x5e: {  	_ =	shalt  }
0x5f: {  	_ =	shalt  }
0x60: {  	_ =	shalt  }
0x61: {  	_ =	shalt  }
0x62: {  	_ =	shalt  }
0x63: {  	_ =	shalt  }
0x64: {  	_ =	shalt  }
0x65: {  	_ =	shalt  }
0x66: {  	_ =	shalt  }
0x67: {  	_ =	shalt  }
0x68: {  	_ =	shalt  }
0x69: {  	_ =	shalt  }
0x6a: {  	_ =	shalt  }
0x6b: {  	_ =	shalt  }
0x6c: {  	_ =	shalt  }
0x6d: {  	_ =	shalt  }
0x6e: {  	_ =	shalt  }
0x6f: {  	_ =	shalt  }
0x70: {  	_ =	shalt  }
0x71: {  	_ =	shalt  }
0x72: {  	_ =	shalt  }
0x73: {  	_ =	shalt  }
0x74: {  	_ =	shalt  }
0x75: {  	_ =	shalt  }
0x76: {  	_ =	shalt  }
0x77: {  	_ =	shalt  }
0x78: {  	_ =	shalt  }
0x79: {  	_ =	shalt  }
0x7a: {  	_ =	shalt  }
0x7b: {  	_ =	shalt  }
0x7c: {  	_ =	shalt  }
0x7d: {  	_ =	shalt  }
0x7e: {  	_ =	shalt  }
0x7f: {  	_ =	shalt  }
0x80: {  	_ =	shalt  }
0x81: {  	_ =	shalt  }
0x82: {  	_ =	shalt  }
0x83: {  	_ =	shalt  }
0x84: {  	_ =	shalt  }
0x85: {  	_ =	shalt  }
0x86: {  	_ =	shalt  }
0x87: {  	_ =	shalt  }
.Lfunc_end0:
.L_simem_size_0:
called_computation.1_lowered:
.L_overlay_start_0:
0x88: {  	s2 =	sld [smem:$0x3FD9]  }
0x89: {  	s3 =	sld [smem:$0x3FFE];
	_ =	sdelay $0x1  }
0x8a: {  	s1 =	srdreg.scid  }
0x8b: {  	s0 =	sand.u32 $0x1, s1  }
0x8c: {  	s14 =	sshll.u32 s0, $0xA;
	s2 =	sadd.s32 s3, s2  }
0x8d: {  	s2 =	sadd.s32 s2, s14  }
0x8e: {  	[smem:$0x3FC5] =	sst s2  }
0x8f: {  	_ = 	snop  }
0x90: {  	s2 =	sld [smem:$0x3FD0];
	_ =	sdelay $0x2  }
0x91: {  	s15 =	simm.s32 $0xA;
	s4 =	simm.s32 $0x10  }
0x92: {  	[smem:s4], [sflag:s15] =	dma.local [hbm:s2], $0x1  }
0x93: {  	_ =	swait.eq [sflag:s15], $0x1  }
0x94: {  	[sflag:s15] =	ssyncset.done $0x0  }
0x95: {  	[sflag:s15] =	ssyncadd.s32 $0xFFFFFFFF  }
0x96: {  	s16 =	sld [smem:$0x10];
	(tm) =	ssettm $0x1  }
0x97: {  	s17 =	sld [smem:$0x3FFB];
	_ =	sdelay $0x3  }
0x98: {  	_ =	strace s17  }
0x99: {  	s3 =	sld [smem:$0x3FFC];
	_ =	sdelay $0x3  }
0x9a: {  	_ =	strace s3  }
0x9b: {  	s3 =	sld [smem:$0x3FFD];
	_ =	sdelay $0x3  }
0x9c: {  	_ =	strace s3  }
0x9d: {  	_ =	strace $0x8FFFFFFF  }
0x9e: {  	s18 =	sld [smem:$0x3FDB];
	_ =	sdelay $0x1  }
0x9f: {  	s19 =	simm.s32 $_scs_section_size  }
0xa0: {  	s5 =	simm.s32 $_size__tile_overlayer_lowered;
	s6 =	simm.s32 $_tile_overlayer_lowered  }
0xa1: {  	s22 =	simm.s32 $0x1BFF;
	s21 =	sshll.u32 s6, $0x1;
	s3 =	sadd.s32 s19, s18  }
0xa2: {  	s7 =	simm.s32 $0x0;
	s20 =	sshll.u32 s5, $0x1;
	s5 =	sadd.s32 s21, s3  }
0xa3: {  	[timem:s7], [sflag:s22] =	dma.local [hbm:s5], s20  }
0xa4: {  	_ =	swait.ge [sflag:s22], s20  }
0xa5: {  	s4 =	ssub.s32 $0x0, s20;
	[sflag:s22] =	ssyncset.done $0x0  }
0xa6: {  	[sflag:s22] =	ssyncadd.s32 s4;
	_ =	sdelay $0x1  }
0xa7: {  	s23 =	simm.s32 $0x1B8B  }
0xa8: {  	_ =	swait.ge [sflag:s23], $0x1  }
0xa9: {  	[sflag:s23] =	ssyncset.done $0x0  }
0xaa: {  	s25 =	simm.s32 $0x1B8E;
	s24 =	sld [smem:$0x3FFE];
	[sflag:s23] =	ssyncadd.s32 $0xFFFFFFFF  }
0xab: {  	s26 =	simm.s32 $execute0_lowered;
	[smem:$0x3FD2] =	sst s25  }
0xac: {  	s5 =	sshll.u32 s26, $0x1;
	_ =	strace $0x80000046;
	[dreg:$0x1] =	wrdreg $0xFFFFFFFF  }
0xad: {  	s28 =	simm.s32 $_size_execute0_lowered;
	s3 =	sadd.s32 s3, s5;
	[dreg:$0x0] =	wrdreg $0x0  }
0xae: {  	s5 =	sshll.u32 s28, $0x1;
	[dreg:$0x2] =	wrdreg s3  }
0xaf: {  	[dreg:$0x3] =	wrdreg s5  }
0xb0: {  	[dreg:$0x4] =	wrdreg $0xC0  }
0xb1: {  	_ =	task [dreg:s7], $0x5FFFF  }
0xb2: {  	[dreg:$0x1] =	wrdreg $0xFFFFFFFF  }
0xb3: {  	[dreg:$0x0] =	wrdreg $0x60  }
0xb4: {  	[dreg:$0x2] =	wrdreg s24  }
0xb5: {  	[dreg:$0x3] =	wrdreg s16  }
0xb6: {  	[dreg:$0x4] =	wrdreg $0x0  }
0xb7: {  	[dreg:$0x5] =	wrdreg $0x9  }
0xb8: {  	_ =	task.clear_ibuf [dreg:s7], $0x6FFFF;
	_ =	strace $0x90000046  }
0xb9: {  	s29 =	simm.s32 $0x9;
	_ =	strace $0x80000048  }
0xba: {  	_ =	swait.ge [sflag:s29], $0x1  }
0xbb: {  	[sflag:s29] =	ssyncadd.s32 $0xFFFFFFFF  }
0xbc: {  	_ =	strace $0x90000048  }
0xbd: {  	_ =	sfence  }
0xbe: {  	s30 =	sld [smem:$0x0];
	_ =	sdelay $0x2  }
0xbf: {  	s31 =	sshll.u32 s1, $0xD;
	s1 =	sshrl.u32 s1, $0x2  }
0xc0: {  	s3 =	sand.u32 $0x4000, s31;
	s1 =	sadd.s32 s1, s30  }
0xc1: {  	s0 =	sor.u32 s3, s0;
	s1 =	sshll.u32 s1, $0x11  }
0xc2: {  	s0 =	sor.u32 s1, s0  }
0xc3: {  	s0 =	sadd.s32 $0x8F2B, s0  }
0xc4: {  	[sflag:s0] =	ssyncadd.remote.s32 $0x1  }
0xc5: {  	_ =	sfence.sel $0xFFFF  }
0xc6: {  	[dreg:$0x0] =	wrdreg $0xFFFFFFFF;
	(pc) =	sbr.abs _section_cstart, $3  }
0xc7: {  	[dreg:$0x1] =	wrdreg $0xFFFFFFFF  }
0xc8: {  	_ =	task.clear_ibuf [dreg:s7], $0x2FFFF;
	_ =	strace $0x9FFFFFFF  }
0xc9: {  	(tm) =	ssettm $0x7FFFFFFF  }
tec
execute0_lowered:
.L_overlay_start_1:
0x0: {  	(tag) =	ssettag $0x1  }
0x1: {  	s0 =	rddreg [dreg:$0x0]  }
0x2: {  	s11 =	rddreg [dreg:$0x1]  }
0x3: {  	s1 =	rddreg [dreg:$0x2]  }
0x4: {  	s13 =	stileid.u32;
	s2 =	srdreg.scid;
	s19 =	simm.s32 $0x12628  }
0x5: {  	s20 =	simm.s32 $0x10;
	s21 =	simm.s32 $0x12A20;
	s23 =	simm.s32 $0x168A0  }
0x6: {  	s24 =	simm.s32 $0x1;
	s28 =	simm.s32 $0x4;
	s29 =	simm.s32 $0x12A10  }
0x7: {  	s30 =	simm.s32 $0x0;
	s10 =	sand.u32 $0x1, s2;
	s3 =	sshll.u32 s13, $0x1  }
0x8: {  	s2 =	simm.s32 $0x0;
	s4 =	smul.u32 $0xF230, s13;
	s25 =	sshll.u32 s13, $0x6  }
0x9: {  	s16 =	sadd.s32 $0xF2300, s1;
	s26 =	smul.u32 $0x186A00, s13;
	p0 =	sne.s32 s13, $0x0  }
0xa: {  	s6 =	sor.u32 s10, s3;
	[smem:$0x7FF] =	sst s2;
	s17 =	smul.u32 $0xC3500, s10  }
0xb: {  	s7 =	ssub.s32 $0x2, s10;
	s16 =	sshrl.u32 @!p0 s16, $0x3;
	s3 =	smul.u32 $0x1900, s6  }
0xc: {  	_ =	strace $0x80000047;
	s5 =	sshrl.u32 s4, $0x3;
	s9 =	sshll.u32 s6, $0x1  }
0xd: {  	s12 =	sshrl.u32 s7, $0x1;
	s14 =	sadd.s32 s4, s1;
	s15 =	smul.u32 $0xC3500, s6  }
0xe: {  	s6 =	sadd.s32 $0x1EA60, s0;
	s5 =	sadd.s32 s5, s0;
	s9 =	sadd.s32 s9, s0  }
0xf: {  	s12 =	ssub.s32 s7, s12;
	s14 =	sshrl.u32 s14, $0x3;
	s3 =	sshrl.u32 s3, $0x3  }
0x10: {  	s4 =	sadd.s32 $0x600, s5;
	s5 =	sor.u32 $0x1C05, s25;
	s9 =	sadd.s32 $0x2BA00, s9  }
0x11: {  	s10 =	smax.u32 s12, $0x1;
	s31 =	sadd.s32 s11, s15;
	s15 =	simm.s32 $0x5  }
0x12: {  	s25 =	simm.s32 $0x3;
	s8 =	sadd.s32 s3, s0;
	s3 =	sadd.s32 $0x2B800, s0  }
0x13: {  	s0 =	sadd.s32 s26, s11;
	s11 =	sadd.s32 $0xC2560, s31;
	s12 =	sadd.s32 $0xC2D30, s31  }
0x14: {  	v1 =	vlaneseq.u32;
	s26 =	simm.s32 $0x2;
	s7 =	sadd.s32 $0x1F000, s8;
	s0 =	sadd.s32 s17, s0  }
0x15: {  	v0 =	vimm.f32 $0.0e+00;
	v1 =	vmul.u32 $0x3E8, v1;
	s8 =	sadd.s32 $0x25400, s8;
	s17 =	simm.s32 $0xF428;
	s0 =	sadd.s32 $0x7D0, s0  }
.LBB2_1:
0x16: {  	[spmem:s14], [sflag:s5] =	dma.local [hbm:s4], $0x1E46  }
0x17: {  	_ =	swait.ge [sflag:s15], $0x1E46  }
0x18: {  	[sflag:s15] =	ssyncset.done $0x0  }
0x19: {  	s13 =	simm.s32 @!p0 $0x5;
	[sflag:s15] =	ssyncadd.s32 $0xFFFFE1BA  }
0x1a: {  	[spmem:s16], [sflag:s5] =	dma.local @!p0 [hbm:s6], $0x3E8  }
0x1b: {  	_ =	swait.ge @!p0 [sflag:s13], $0x3E8  }
0x1c: {  	[sflag:s13] =	ssyncset.done @!p0 $0x0  }
0x1d: {  	[sflag:s13] =	ssyncadd.s32 @!p0 $0xFFFFFC18  }
0x1e: {  	[tilespmem:s17], [sflag:$0x5] =	stream.linear.gather [hbm4b:s7+s2], $0x1900, $0x38;
	[tilespmem:$0x1A720] =	vst v63  }
0x1f: {  	_ =	swait.ge [sflag:s15], $0x1900  }
0x20: {  	[sflag:s15] =	ssyncset.done $0x0  }
0x21: {  	s22 =	simm.s32 $0x10D28;
	[sflag:s15] =	ssyncadd.s32 $0xFFFFE700  }
0x22: {  	[tilespmem:s22], [sflag:$0x5] =	stream.linear.gather [hbm4b:s8+s2], $0x1900, $0x38;
	[tilespmem:$0x1A720] =	vst v63  }
0x23: {  	_ =	swait.ge [sflag:s15], $0x1900  }
0x24: {  	[sflag:s15] =	ssyncset.done $0x0  }
0x25: {  	[sflag:s15] =	ssyncadd.s32 $0xFFFFE700  }
0x26: {  	[tilespmem:s19], [sflag:$0x5] =	stream.linear.gather [hbm4b:s3+s2], $0x3E8, $0x38;
	[tilespmem:$0x1A720] =	vst v63  }
0x27: {  	_ =	swait.ge [sflag:s15], $0x3E8  }
0x28: {  	[sflag:s15] =	ssyncset.done $0x0  }
0x29: {  	[sflag:s15] =	ssyncadd.s32 $0xFFFFFC18  }
0x2a: {  	[tilespmem:$0x12A10] =	vst v0  }
0x2b: {  	[bflag:$0x0] =	sbarrier.arrive $0xFFFF  }
0x2c: {  	[tilespmem:s21], [sflag:$0x1] =	stream.indirect.gather [spmem:s1], $0x3E8, s17, s20, $0xb8;
	[tilespmem:$0x1A720] =	vst v63  }
0x2d: {  	s18 =	simm.s32 $0xF438  }
0x2e: {  	[tilespmem:s23], [sflag:$0x2] =	stream.indirect.gather [spmem:s1], $0x3E8, s18, s20, $0xb8;
	[tilespmem:$0x1A720] =	vst v63  }
0x2f: {  	_ =	swait.ge [sflag:s24], $0x3E80  }
0x30: {  	[sflag:s24] =	ssyncset.done $0x0  }
0x31: {  	s13 =	simm.s32 $0x0;
	[sflag:s24] =	ssyncadd.s32 $0xFFFFC180  }
0x32: {  	v2 =	vld [tilespmem:s13+$0x10D28]  }
0x33: {  	v3 =	vld [tilespmem:s13+$0xF428];
	_ =	sdelay $0x3  }
0x34: {  	v2 =	vadd.s32 v1, v2;
	_ =	sdelay $0x3  }
0x35: {  	v3 =	vld.idx.msk [tilespmem:v3+s19+$0x0], $0xffff  }
0x36: {  	v2 =	vld.idx.msk [tilespmem:v2+s21+$0x0], $0xffff;
	_ =	sdelay $0x1  }
0x37: {  	v4 =	vld [tilespmem:$0x12A10];
	_ =	sdelay $0x2  }
0x38: {  	v2 =	vsub.f32 v3, v2;
	_ =	sdelay $0x1  }
0x39: {  	v2 =	vadd.f32 v2, v4;
	_ =	sdelay $0x1  }
0x3a: {  	s18 =	sadd.s32 $0xFFFFF830, s0;
	[tilespmem:$0x12A10] =	vst v2  }
0x3b: {  	[hbm4b:s18+s2] =	stream.linear.scatter [tilespmem:s21], [sflag:$0x3], $0x3E80, $0x38;
	[tilespmem:$0x1A720] =	vst v63  }
0x3c: {  	_ =	swait.ge [sflag:s25], $0x3E80  }
0x3d: {  	[sflag:s25] =	ssyncset.done $0x0  }
0x3e: {  	s22 =	simm.s32 $0xF448;
	[sflag:s25] =	ssyncadd.s32 $0xFFFFC180  }
0x3f: {  	[tilespmem:s21], [sflag:$0x1] =	stream.indirect.gather [spmem:s1], $0x3E8, s22, s20, $0xb8;
	[tilespmem:$0x1A720] =	vst v63  }
0x40: {  	_ =	swait.ge [sflag:s26], $0x3E80  }
0x41: {  	[sflag:s26] =	ssyncset.done $0x0  }
0x42: {  	[sflag:s26] =	ssyncadd.s32 $0xFFFFC180  }
0x43: {  	v2 =	vld [tilespmem:s13+$0x10D38]  }
0x44: {  	v3 =	vld [tilespmem:s13+$0xF438];
	_ =	sdelay $0x3  }
0x45: {  	v2 =	vadd.s32 v1, v2;
	_ =	sdelay $0x3  }
0x46: {  	v3 =	vld.idx.msk [tilespmem:v3+s19+$0x0], $0xffff  }
0x47: {  	v2 =	vld.idx.msk [tilespmem:v2+s23+$0x0], $0xffff;
	_ =	sdelay $0x1  }
0x48: {  	v63 =	vld [tilespmem:$0x12A10];
	_ =	sdelay $0x2  }
0x49: {  	v2 =	vsub.f32 v3, v2;
	_ =	sdelay $0x1  }
0x4a: {  	v2 =	vadd.f32 v2, v63;
	_ =	sdelay $0x1  }
0x4b: {  	[tilespmem:$0x12A10] =	vst v2  }
0x4c: {  	[hbm4b:s0+s2] =	stream.linear.scatter [tilespmem:s23], [sflag:$0x4], $0x3E80, $0x38;
	[tilespmem:$0x1A720] =	vst v63  }
0x4d: {  	s31 =	simm.s32 $0x80;
	_ =	swait.ge [sflag:s28], $0x3E80  }
0x4e: {  	s18 =	simm.s32 $0xF458;
	s13 =	smov.u32 s0;
	[sflag:s28] =	ssyncset.done $0x0  }
.LBB2_2:
0x4f: {  	p1 =	sne.s32 s31, $0x6300;
	[sflag:s28] =	ssyncadd.s32 $0xFFFFC180;
	s13 =	sadd.s32 $0xFA0, s13  }
0x50: {  	[tilespmem:s23], [sflag:$0x2] =	stream.indirect.gather [spmem:s1], $0x3E8, s18, s20, $0xb8;
	[tilespmem:$0x1A720] =	vst v63  }
0x51: {  	s18 =	smov.u32 s31;
	s31 =	sadd.s32 $0x80, s31;
	_ =	swait.ge [sflag:s24], $0x3E80  }
0x52: {  	[sflag:s24] =	ssyncset.done $0x0  }
0x53: {  	s18 =	sshra.s32 s18, $0x2;
	[sflag:s24] =	ssyncadd.s32 $0xFFFFC180  }
0x54: {  	v2 =	vld [tilespmem:s18+$0x10D28]  }
0x55: {  	v3 =	vld [tilespmem:s18+$0xF428];
	_ =	sdelay $0x3  }
0x56: {  	v2 =	vadd.s32 v1, v2;
	_ =	sdelay $0x3  }
0x57: {  	v3 =	vld.idx.msk [tilespmem:v3+s19+$0x0], $0xffff  }
0x58: {  	v2 =	vld.idx.msk [tilespmem:v2+s21+$0x0], $0xffff;
	_ =	sdelay $0x1  }
0x59: {  	v4 =	vld [tilespmem:$0x12A10];
	_ =	sdelay $0x3  }
0x5a: {  	v2 =	vsub.f32 v3, v2;
	_ =	sdelay $0x1  }
0x5b: {  	v2 =	vadd.f32 v2, v4  }
0x5c: {  	s22 =	sadd.s32 $0xFFFFF830, s13  }
0x5d: {  	[tilespmem:$0x12A10] =	vst v2  }
0x5e: {  	[hbm4b:s22+s2] =	stream.linear.scatter [tilespmem:s21], [sflag:$0x3], $0x3E80, $0x38;
	[tilespmem:$0x1A720] =	vst v63  }
0x5f: {  	_ =	swait.ge [sflag:s25], $0x3E80  }
0x60: {  	s22 =	sadd.s32 $0xF448, s18;
	[sflag:s25] =	ssyncset.done $0x0  }
0x61: {  	[sflag:s25] =	ssyncadd.s32 $0xFFFFC180  }
0x62: {  	[tilespmem:s21], [sflag:$0x1] =	stream.indirect.gather [spmem:s1], $0x3E8, s22, s20, $0xb8;
	[tilespmem:$0x1A720] =	vst v63  }
0x63: {  	_ =	swait.ge [sflag:s26], $0x3E80  }
0x64: {  	[sflag:s26] =	ssyncset.done $0x0  }
0x65: {  	[sflag:s26] =	ssyncadd.s32 $0xFFFFC180  }
0x66: {  	v2 =	vld [tilespmem:s18+$0x10D38]  }
0x67: {  	v3 =	vld [tilespmem:s18+$0xF438];
	_ =	sdelay $0x3  }
0x68: {  	v2 =	vadd.s32 v1, v2;
	_ =	sdelay $0x3  }
0x69: {  	v3 =	vld.idx.msk [tilespmem:v3+s19+$0x0], $0xffff  }
0x6a: {  	v2 =	vld.idx.msk [tilespmem:v2+s23+$0x0], $0xffff;
	_ =	sdelay $0x1  }
0x6b: {  	v4 =	vld [tilespmem:$0x12A10];
	_ =	sdelay $0x3  }
0x6c: {  	v2 =	vsub.f32 v3, v2;
	_ =	sdelay $0x1  }
0x6d: {  	v2 =	vadd.f32 v2, v4  }
.Ltmp0:
0x6e: {  	(pc) =	sbr.rel @p1 .LBB2_2-.Ltmp0, $4  }
0x6f: {  	[tilespmem:$0x12A10] =	vst v2  }
0x70: {  	[hbm4b:s13+s2] =	stream.linear.scatter [tilespmem:s23], [sflag:$0x4], $0x3E80, $0x38;
	[tilespmem:$0x1A720] =	vst v63  }
0x71: {  	_ =	swait.ge [sflag:s28], $0x3E80  }
0x72: {  	s18 =	sadd.s32 $0xF458, s18;
	[sflag:s28] =	ssyncset.done $0x0  }
0x73: {  	[sflag:s28] =	ssyncadd.s32 $0xFFFFC180  }
0x74: {  	[tilespmem:s23], [sflag:$0x2] =	stream.indirect.gather [spmem:s1], $0x3E8, s18, s20, $0xb8;
	[tilespmem:$0x1A720] =	vst v63  }
0x75: {  	_ =	swait.ge [sflag:s24], $0x3E80  }
0x76: {  	[sflag:s24] =	ssyncset.done $0x0  }
0x77: {  	[sflag:s24] =	ssyncadd.s32 $0xFFFFC180  }
0x78: {  	v2 =	vld [tilespmem:$0x12608]  }
0x79: {  	v3 =	vld [tilespmem:$0x10D08];
	_ =	sdelay $0x3  }
0x7a: {  	v2 =	vadd.s32 v1, v2;
	_ =	sdelay $0x3  }
0x7b: {  	v3 =	vld.idx.msk [tilespmem:v3+s19+$0x0], $0xffff  }
0x7c: {  	v2 =	vld.idx.msk [tilespmem:v2+s21+$0x0], $0xffff;
	_ =	sdelay $0x1  }
0x7d: {  	v4 =	vld [tilespmem:$0x12A10];
	_ =	sdelay $0x2  }
0x7e: {  	v2 =	vsub.f32 v3, v2;
	_ =	sdelay $0x1  }
0x7f: {  	v2 =	vadd.f32 v2, v4;
	_ =	sdelay $0x1  }
0x80: {  	[tilespmem:$0x12A10] =	vst v2  }
0x81: {  	[hbm4b:s11+s2] =	stream.linear.scatter [tilespmem:s21], [sflag:$0x3], $0x3E80, $0x38;
	[tilespmem:$0x1A720] =	vst v63  }
0x82: {  	_ =	swait.ge [sflag:s26], $0x3E80  }
0x83: {  	[sflag:s26] =	ssyncset.done $0x0  }
0x84: {  	[sflag:s26] =	ssyncadd.s32 $0xFFFFC180  }
0x85: {  	v2 =	vld [tilespmem:$0x12618]  }
0x86: {  	v3 =	vld [tilespmem:$0x10D18];
	_ =	sdelay $0x3  }
0x87: {  	v2 =	vadd.s32 v1, v2;
	_ =	sdelay $0x3  }
0x88: {  	v3 =	vld.idx.msk [tilespmem:v3+s19+$0x0], $0xffff  }
0x89: {  	v2 =	vld.idx.msk [tilespmem:v2+s23+$0x0], $0xffff;
	_ =	sdelay $0x1  }
0x8a: {  	v63 =	vld [tilespmem:$0x12A10];
	_ =	sdelay $0x2  }
0x8b: {  	v2 =	vsub.f32 v3, v2;
	_ =	sdelay $0x1  }
0x8c: {  	v2 =	vadd.f32 v2, v63;
	_ =	sdelay $0x1  }
0x8d: {  	[tilespmem:$0x12A10] =	vst v2  }
0x8e: {  	[hbm4b:s12+s2] =	stream.linear.scatter [tilespmem:s23], [sflag:$0x4], $0x3E80, $0x38;
	[tilespmem:$0x1A720] =	vst v63  }
0x8f: {  	_ =	swait.ge [sflag:s25], $0x3E80  }
0x90: {  	[sflag:s25] =	ssyncset.done $0x0  }
0x91: {  	[sflag:s25] =	ssyncadd.s32 $0xFFFFC180  }
0x92: {  	s30 =	sadd.s32 $0x1, s30;
	_ =	swait.ge [sflag:s28], $0x3E80  }
0x93: {  	p1 =	sne.s32 s30, s10;
	[sflag:s28] =	ssyncset.done $0x0  }
.Ltmp1:
0x94: {  	[sflag:s28] =	ssyncadd.s32 $0xFFFFC180;
	(pc) =	sbr.rel @p1 .LBB2_1-.Ltmp1, $4  }
0x95: {  	[hbm4b:s9+s2] =	stream.linear.scatter [tilespmem:s29], [sflag:$0x5], $0x10, $0x38;
	[tilespmem:$0x1A720] =	vst v63  }
0x96: {  	_ =	swait.ge [sflag:s15], $0x10  }
0x97: {  	[sflag:s15] =	ssyncset.done $0x0  }
0x98: {  	[sflag:s15] =	ssyncadd.s32 $0xFFFFFFF0  }
0x99: {  	_ =	sfence.sel $0x180000  }
0x9a: {  	[bflag:$0x0] =	sbarrier.arrive $0xFFFF  }
0x9b: {  	_ =	strace $0x90000047  }
0x9c: {  	[bflag:$0x2] =	sbarrier.arrive $0xFFFF  }
0x9d: {  	s0 =	rddreg [dreg:$0x3]  }
0x9e: {  	s0 =	sadd.s32 @!p0 $0x100000, s0  }
0x9f: {  	[sflag:s0] =	ssyncadd.tile.s32 @!p0 $0x1;
	_ =	shalt  }
.Lfunc_end2:
_tile_overlayer_lowered:
.L_overlay_start_2:
0xa0: {  	(tag) =	ssettag $0x2  }
0xa1: {  	s0 =	rddreg [dreg:$0x0];
	s2 =	stileid.u32  }
0xa2: {  	s1 =	rddreg [dreg:$0x1];
	p0 =	sne.s32 s2, $0x0  }
0xa3: {  	s3 =	rddreg [dreg:$0x2];
	[bflag:$0x3] =	sbarrier.arrive $0xFFFF;
	s2 =	simm.s32 @!p0 $0x1C05  }
0xa4: {  	[timem:s3], [sflag:s2] =	dma.local @!p0 [hbm:s0], s1  }
0xa5: {  	s0 =	simm.s32 @!p0 $0x5  }
0xa6: {  	_ =	swait.ge @!p0 [sflag:s0], s1  }
0xa7: {  	s1 =	ssub.s32 @!p0 $0x0, s1;
	[sflag:s0] =	ssyncset.done @!p0 $0x0  }
0xa8: {  	[sflag:s0] =	ssyncadd.s32 @!p0 s1  }
0xa9: {  	[bflag:$0x3] =	sbarrier.arrive $0xFFFF  }
0xaa: {  	_ =	shalt  }

// kernel: sparse-core-data-format-call.cloned.1.call-start
scs
called_computation_lowered:
.L_overlay_start_0:
0x0: {  	s2 =	sld [smem:$0x3FD9]  }
0x1: {  	s3 =	sld [smem:$0x3FFE];
	_ =	sdelay $0x1  }
0x2: {  	s1 =	srdreg.scid  }
0x3: {  	s0 =	sand.u32 $0x1, s1  }
0x4: {  	s15 =	sshll.u32 s0, $0xA;
	s2 =	sadd.s32 s3, s2  }
0x5: {  	s2 =	sadd.s32 s2, s15  }
0x6: {  	[smem:$0x3FC5] =	sst s2  }
0x7: {  	_ = 	snop  }
0x8: {  	s2 =	sld [smem:$0x3FD0];
	_ =	sdelay $0x2  }
0x9: {  	s16 =	simm.s32 $0xA;
	s4 =	simm.s32 $0x10  }
0xa: {  	[smem:s4], [sflag:s16] =	dma.local [hbm:s2], $0x1  }
0xb: {  	_ =	swait.eq [sflag:s16], $0x1  }
0xc: {  	[sflag:s16] =	ssyncset.done $0x0  }
0xd: {  	[sflag:s16] =	ssyncadd.s32 $0xFFFFFFFF  }
0xe: {  	s17 =	sld [smem:$0x10];
	(tm) =	ssettm $0x1  }
0xf: {  	s18 =	sld [smem:$0x3FFB];
	_ =	sdelay $0x3  }
0x10: {  	_ =	strace s18  }
0x11: {  	s3 =	sld [smem:$0x3FFC];
	_ =	sdelay $0x3  }
0x12: {  	_ =	strace s3  }
0x13: {  	s3 =	sld [smem:$0x3FFD];
	_ =	sdelay $0x3  }
0x14: {  	_ =	strace s3  }
0x15: {  	_ =	strace $0x8FFFFFFF  }
0x16: {  	s19 =	sld [smem:$0x3FDB];
	_ =	sdelay $0x1  }
0x17: {  	s20 =	simm.s32 $_scs_section_size  }
0x18: {  	s5 =	simm.s32 $_size__tile_overlayer_lowered;
	s6 =	simm.s32 $_tile_overlayer_lowered  }
0x19: {  	s23 =	simm.s32 $0x1BFF;
	s22 =	sshll.u32 s6, $0x1;
	s3 =	sadd.s32 s20, s19  }
0x1a: {  	s7 =	simm.s32 $0x0;
	s21 =	sshll.u32 s5, $0x1;
	s5 =	sadd.s32 s22, s3  }
0x1b: {  	[timem:s7], [sflag:s23] =	dma.local [hbm:s5], s21  }
0x1c: {  	_ =	swait.ge [sflag:s23], s21  }
0x1d: {  	s4 =	ssub.s32 $0x0, s21;
	[sflag:s23] =	ssyncset.done $0x0  }
0x1e: {  	[sflag:s23] =	ssyncadd.s32 s4;
	_ =	sdelay $0x1  }
0x1f: {  	s24 =	simm.s32 $0x1B8B  }
0x20: {  	_ =	swait.ge [sflag:s24], $0x1  }
0x21: {  	[sflag:s24] =	ssyncset.done $0x0  }
0x22: {  	s26 =	simm.s32 $0x1B8E;
	s25 =	sld [smem:$0x3FFE];
	[sflag:s24] =	ssyncadd.s32 $0xFFFFFFFF  }
0x23: {  	s27 =	simm.s32 $execute0_lowered;
	[smem:$0x3FD2] =	sst s26  }
0x24: {  	s5 =	sshll.u32 s27, $0x1;
	_ =	strace $0x80000049;
	[dreg:$0x1] =	wrdreg $0xFFFFFFFF  }
0x25: {  	s28 =	simm.s32 $_size_execute0_lowered;
	s3 =	sadd.s32 s3, s5;
	[dreg:$0x0] =	wrdreg $0x0  }
0x26: {  	s5 =	sshll.u32 s28, $0x1;
	[dreg:$0x2] =	wrdreg s3  }
0x27: {  	[dreg:$0x3] =	wrdreg s5  }
0x28: {  	[dreg:$0x4] =	wrdreg $0xC0  }
0x29: {  	_ =	task [dreg:s7], $0x5FFFF  }
0x2a: {  	[dreg:$0x1] =	wrdreg $0xFFFFFFFF  }
0x2b: {  	[dreg:$0x0] =	wrdreg $0x60  }
0x2c: {  	[dreg:$0x2] =	wrdreg s25  }
0x2d: {  	[dreg:$0x3] =	wrdreg s17  }
0x2e: {  	[dreg:$0x4] =	wrdreg $0x9  }
0x2f: {  	_ =	task.clear_ibuf [dreg:s7], $0x5FFFF;
	_ =	strace $0x90000049  }
0x30: {  	s29 =	simm.s32 $0x9;
	_ =	strace $0x8000004B  }
0x31: {  	_ =	swait.ge [sflag:s29], $0x1  }
0x32: {  	[sflag:s29] =	ssyncadd.s32 $0xFFFFFFFF  }
0x33: {  	_ =	strace $0x9000004B  }
0x34: {  	_ =	sfence  }
0x35: {  	s30 =	sld [smem:$0x0];
	_ =	sdelay $0x2  }
0x36: {  	s31 =	sshll.u32 s1, $0xD;
	s1 =	sshrl.u32 s1, $0x2  }
0x37: {  	s3 =	sand.u32 $0x4000, s31;
	s1 =	sadd.s32 s1, s30  }
0x38: {  	s0 =	sor.u32 s3, s0;
	s1 =	sshll.u32 s1, $0x11  }
0x39: {  	s0 =	sor.u32 s1, s0  }
0x3a: {  	s0 =	sadd.s32 $0x8F2B, s0  }
0x3b: {  	[sflag:s0] =	ssyncadd.remote.s32 $0x1  }
0x3c: {  	_ =	sfence.sel $0xFFFF  }
0x3d: {  	[dreg:$0x0] =	wrdreg $0xFFFFFFFF;
	(pc) =	sbr.abs _section_cstart, $3  }
0x3e: {  	[dreg:$0x1] =	wrdreg $0xFFFFFFFF  }
0x3f: {  	_ =	task.clear_ibuf [dreg:s7], $0x2FFFF;
	_ =	strace $0x9FFFFFFF  }
0x40: {  	(tm) =	ssettm $0x7FFFFFFF  }
0x41: {  	_ =	shalt  }
tec
execute0_lowered:
.L_overlay_start_1:
0x0: {  	(tag) =	ssettag $0x1  }
0x1: {  	s0 =	srdreg.scid;
	s5 =	rddreg [dreg:$0x0]  }
0x2: {  	s3 =	rddreg [dreg:$0x1];
	s1 =	sshll.u32 s0, $0x4  }
0x3: {  	s7 =	simm.s32 $0x1;
	s0 =	stileid.u32;
	s1 =	sand.u32 $0x10, s1  }
0x4: {  	s8 =	simm.s32 $0x2;
	s15 =	simm.s32 $0x0;
	s1 =	sor.u32 s0, s1  }
0x5: {  	s14 =	simm.s32 $0x0;
	s9 =	simm.s32 $0x0;
	s2 =	sshll.u32 s1, $0x7  }
0x6: {  	s10 =	simm.s32 $0x0;
	s11 =	simm.s32 $0x0;
	s6 =	ssub.s32 $0x32000, s2  }
0x7: {  	s13 =	simm.s32 $0x0;
	s5 =	sadd.s32 $0x2BC00, s5;
	s4 =	sand.u32 $0xF80, s6  }
.Ltmp0:
0x8: {  	s1 =	rddreg [dreg:$0x2];
	p0 =	sne.s32 s4, $0x0;
	(pc) =	sbr.rel .LBB1_1-.Ltmp0, $4  }
0x9: {  	_ =	strace $0x8000004A;
	s6 =	sshrl.u32 s6, $0xC;
	s7 =	simm.s32 @!p0 $0x0  }
0xa: {  	s12 =	smov.u32 s2;
	s4 =	simm.s32 $0x1;
	s6 =	sadd.s32 s7, s6  }
0xb: {  	[sflag:s4] =	ssyncpa.u1 $0x0;
	p0 =	por $0x0, $0x0;
	s6 =	sshll.u32 s6, $0x3  }
0xc: {  	[sflag:s8] =	ssyncpa.u1 $0x0;
	s8 =	simm.s32 $0x190000;
	s7 =	sor.u32 $0x1, s6  }
.LBB1_4:
0xd: {  	s21 =	sshrl.u32 s9, $0x3;
	s22 =	sshll.u32 s10, $0x3  }
0xe: {  	s20 =	sshra.s32 s20, $0x2;
	s23 =	sshll.u32 s9, $0x7;
	s24 =	sand.u32 $0x7F, s10  }
0xf: {  	p1 =	sgt.s32 s9, $0x368;
	s28 =	sshra.s32 s9, $0x1F;
	s21 =	smul.u32 $0x190000, s21  }
0x10: {  	s29 =	sshra.s32 s10, $0x1F;
	s22 =	sand.u32 $0xFFFFFC00, s22;
	s25 =	sand.u32 $0x380, s23  }
0x11: {  	s19 =	sadd.s32 s20, s19;
	s26 =	sor.u32 s24, s25;
	s21 =	sadd.s32 s22, s21  }
0x12: {  	s27 =	smulhi.u32 $0x51EB851F, s21;
	s20 =	sor.u32 s21, s26;
	s21 =	smov.u32 s9  }
0x13: {  	v5 =	vld [tilespmem:s17+$0xFFFFFFD0];
	[tilespmem:s18+$0x2040 ss:$0x81] =	vst.msk $0xffff, v4;
	s23 =	sand.u32 s28, s9;
	s24 =	sand.u32 s29, s10;
	s21 =	simm.s32 @!p1 $0x368  }
0x14: {  	v58 =	vld [tilespmem:s17+$0xFFFFFFE0];
	[tilespmem:s18+$0x2850 ss:$0x81] =	vst.msk $0xffff, v3;
	p1 =	sgt.s32 s10, $0x31F80;
	s30 =	smulhi.u32 $0x51EB851F, s20;
	s22 =	sshrl.u32 s27, $0x10  }
0x15: {  	v59 =	vld [tilespmem:s17+$0xFFFFFFF0];
	[tilespmem:s18+$0x3060 ss:$0x81] =	vst.msk $0xffff, v2;
	s21 =	ssub.s32 s21, s23;
	s23 =	smov.u32 s10;
	s25 =	smul.u32 $0x8313, s22  }
0x16: {  	v60 =	vld [tilespmem:s17+$0x0];
	[tilespmem:s18+$0x0 ss:$0x81] =	vst.msk $0xffff, v0;
	s23 =	simm.s32 @!p1 $0x31F80;
	s31 =	sadd.s32 $0xFFFFFC98, s21;
	s18 =	sshrl.u32 s30, $0x10  }
0x17: {  	v61 =	vld [tilespmem:s17+$0x10];
	[tilespmem:s19+$0x3870 ss:$0x81] =	vst.msk $0xffff, v1;
	s23 =	ssub.s32 s23, s24;
	s28 =	smul.u32 $0x32000, s18;
	s25 =	sshrl.u32 s25, $0x19  }
0x18: {  	v62 =	vld [tilespmem:s17+$0x20];
	[tilespmem:s19+$0x810 ss:$0x81] =	vst.msk $0xffff, v5;
	p1 =	sgt.s32 s31, $0x7F;
	s26 =	sadd.s32 $0xFFFCE080, s23;
	s27 =	smul.u32 $0x3E8, s25  }
0x19: {  	v63 =	vld [tilespmem:s17+$0xFFFFFFC0];
	[tilespmem:s19+$0x1020 ss:$0x81] =	vst.msk $0xffff, v58;
	s18 =	ssub.s32 $0x3E8, s21;
	s21 =	ssub.s32 $0x32000, s23;
	p2 =	sgt.s32 s26, $0x7F  }
0x1a: {  	[tilespmem:s19+$0x1830 ss:$0x81] =	vst.msk $0xffff, v59;
	s18 =	simm.s32 @p1 $0x0;
	s21 =	simm.s32 @p2 $0x0;
	s22 =	ssub.s32 s22, s27  }
0x1b: {  	[tilespmem:s19+$0x2040 ss:$0x81] =	vst.msk $0xffff, v60;
	s17 =	ssub.s32 s20, s28;
	s18 =	smul.u32 s21, s18;
	s29 =	sand.u32 $0xFFFF, s22  }
0x1c: {  	[tilespmem:s19+$0x2850 ss:$0x81] =	vst.msk $0xffff, v61;
	s30 =	sshrl.u32 s17, $0x3;
	s17 =	sand.u32 $0x7, s17;
	s20 =	smul.u32 $0x6400, s29  }
0x1d: {  	[tilespmem:s19+$0x3060 ss:$0x81] =	vst.msk $0xffff, v62;
	s21 =	sadd.s32 s3, s30;
	s17 =	sshll.u32 s17, $0x12  }
0x1e: {  	[tilespmem:s19+$0x0 ss:$0x81] =	vst.msk $0xffff, v63;
	s17 =	sor.u32 $0x400, s17;
	s18 =	sand.u32 $0x3FFFFFFF, s18;
	s31 =	sadd.s32 s20, s21  }
0x1f: {  	[hbm4b:s31+s17] =	stream.strided.scatter [tilespmem:s16], [sflag:$0x2], s18, s8, s17, $0x20;
	[tilespmem:$0x10100] =	vst v63  }
.LBB1_5:
0x20: {  	p1 =	slt.u32 s13, $0x2  }
0x21: {  	s17 =	smov.u32 s15;
	p2 =	sgt.s32 @!p1 s15, $0x368;
	s16 =	sshra.s32 @!p1 s15, $0x1F  }
0x22: {  	p3 =	sgt.s32 @!p1 s14, $0x31F80;
	s18 =	sshra.s32 @!p1 s14, $0x1F;
	p2 =	por !p2, p1  }
0x23: {  	s15 =	sand.u32 @!p1 s16, s15;
	p3 =	por !p3, p1;
	s16 =	smov.u32 s14  }
0x24: {  	s14 =	sand.u32 @!p1 s18, s14;
	s17 =	simm.s32 @p2 $0x368;
	s16 =	simm.s32 @p3 $0x31F80  }
0x25: {  	s15 =	ssub.s32 @!p1 s17, s15;
	s14 =	ssub.s32 @!p1 s16, s14  }
0x26: {  	s18 =	smov.u32 s12;
	s16 =	sadd.s32 @!p1 $0xFFFFFC98, s15;
	s17 =	sadd.s32 @!p1 $0xFFFCE080, s14  }
0x27: {  	s15 =	ssub.s32 @!p1 $0x3E8, s15;
	p2 =	sgt.s32 @!p1 s16, $0x7F;
	p3 =	sgt.s32 @!p1 s17, $0x7F  }
0x28: {  	s14 =	ssub.s32 @!p1 $0x32000, s14;
	p2 =	por !p2, p1;
	p3 =	por !p3, p1  }
0x29: {  	s16 =	sadd.s32 $0x80, s11;
	s15 =	simm.s32 @!p2 $0x0;
	s14 =	simm.s32 @!p3 $0x0  }
0x2a: {  	p2 =	sgt.s32 s16, $0x3E7;
	s14 =	smul.u32 @!p1 s14, s15;
	s15 =	sadd.s32 $0x1000, s12  }
0x2b: {  	s18 =	smov.u32 @p2 s15  }
0x2c: {  	s16 =	simm.s32 @p2 $0x0;
	p2 =	sgt.s32 s18, $0x31FFF  }
0x2d: {  	s18 =	smov.u32 @p2 s2;
	p2 =	sne.s32 s13, s7  }
.Ltmp1:
0x2e: {  	p0 =	por !p0, !p0;
	s17 =	simm.s32 @!p1 $0x2;
	(pc) =	sbr.rel @!p2 .LBB1_6-.Ltmp1, $4  }
0x2f: {  	s15 =	smov.u32 s9;
	s9 =	smov.u32 s11;
	s14 =	sand.u32 @!p1 $0x3FFFFFFF, s14  }
0x30: {  	s11 =	smov.u32 s16;
	_ =	swait.ge @!p1 [sflag:s17], s14;
	s19 =	ssub.s32 @!p1 $0x0, s14  }
0x31: {  	s14 =	smov.u32 s10;
	s13 =	sadd.s32 $0x1, s13;
	[sflag:s17] =	ssyncset.done @!p1 $0x0  }
0x32: {  	s10 =	smov.u32 s12;
	s12 =	smov.u32 s18;
	[sflag:s17] =	ssyncadd.s32 @!p1 s19  }
.LBB1_1:
0x33: {  	p1 =	sge.u32 s13, s6  }
0x34: {  	s16 =	sshll.u32 @!p1 s12, $0xA  }
0x35: {  	s17 =	sshll.u32 @!p1 s11, $0x3;
	s16 =	sand.u32 @!p1 $0xFFFFE000, s16  }
0x36: {  	s16 =	sadd.s32 @!p1 s16, s17  }
0x37: {  	s16 =	sshrl.u32 @!p1 s16, $0xA  }
0x38: {  	s17 =	smulhi.u32 @!p1 $0x28F5C3, s16  }
0x39: {  	s18 =	sxor.u32 @!p1 $0xFFFFFFFF, s13  }
0x3a: {  	s19 =	sshll.u32 @!p1 s12, $0x7;
	s20 =	sand.u32 @!p1 $0x78, s11;
	s17 =	sshrl.u32 @!p1 s17, $0x7  }
0x3b: {  	s18 =	sshll.u32 @!p1 s18, $0xE;
	s19 =	sand.u32 @!p1 $0x380, s19;
	s17 =	smul.u32 @!p1 $0x32000, s17  }
0x3c: {  	s31 =	sadd.s32 $0xFFFFFFFF, s13;
	s19 =	sor.u32 @!p1 s20, s19;
	s18 =	sand.u32 @!p1 $0x4000, s18  }
0x3d: {  	s16 =	ssub.s32 @!p1 s16, s17;
	s17 =	sshrl.u32 @!p1 s19, $0x3;
	s19 =	sand.u32 @!p1 $0x7, s11  }
0x3e: {  	s16 =	sshll.u32 @!p1 s16, $0x7;
	s17 =	sadd.s32 @!p1 s5, s17;
	s19 =	sshll.u32 @!p1 s19, $0x12  }
0x3f: {  	s16 =	sadd.s32 @!p1 s16, s17;
	s17 =	sor.u32 @!p1 $0x400, s19;
	s19 =	simm.s32 @!p1 $0x2000  }
0x40: {  	[tilespmem:s18], [sflag:$0x1] =	stream.strided.gather @!p1 [hbm4b:s16+s17], $0x4000, s19, s17, $0x38;
	[tilespmem:$0x10100] =	vst v63  }
0x41: {  	p1 =	sge.u32 s31, s6  }
.Ltmp2:
0x42: {  	_ = 	snop;
	(pc) =	sbr.rel @p1 .LBB1_5-.Ltmp2, $1  }
0x43: {  	_ =	sdelay $0x3  }
0x44: {  	s16 =	simm.s32 $0x1  }
0x45: {  	_ =	swait.ge [sflag:s4], $0x4000;
	s16 =	simm.s32 @!p0 $0x0  }
0x46: {  	[sflag:s4] =	ssyncset.done $0x0;
	s17 =	sshll.u32 s16, $0xE  }
0x47: {  	[sflag:s4] =	ssyncadd.s32 $0xFFFFC000;
	s17 =	sor.u32 $0x40, s17  }
0x48: {  	s16 =	smul.u32 $0x10200, s16;
	v0 =	vld [tilespmem:s17+$0x30]  }
0x49: {  	v1 =	vld [tilespmem:s17+$0xFFFFFFD0]  }
0x4a: {  	s16 =	sshrl.u32 s16, $0x2;
	v5 =	vld [tilespmem:s17+$0xFFFFFFE0]  }
0x4b: {  	v6 =	vld [tilespmem:s17+$0xFFFFFFF0];
	s19 =	sor.u32 $0x8000, s16  }
0x4c: {  	s31 =	sand.u32 $0x1, s13;
	v4 =	vld [tilespmem:s17+$0x0];
	s18 =	sadd.s32 $0x0, s19  }
0x4d: {  	v3 =	vld [tilespmem:s17+$0x10];
	s16 =	smul.u32 $0x10200, s31;
	[tilespmem:s18+$0x3870 ss:$0x81] =	vst.msk $0xffff, v0  }
0x4e: {  	v2 =	vld [tilespmem:s17+$0x20];
	[tilespmem:s18+$0x810 ss:$0x81] =	vst.msk $0xffff, v1  }
0x4f: {  	s16 =	sshrl.u32 s16, $0x2;
	v0 =	vld [tilespmem:s17+$0xFFFFFFC0];
	[tilespmem:s18+$0x1020 ss:$0x81] =	vst.msk $0xffff, v5;
	s17 =	sadd.s32 $0x80, s17  }
0x50: {  	s20 =	simm.s32 $0x4;
	s21 =	simm.s32 $0x8;
	s16 =	sor.u32 $0x8000, s16;
	[tilespmem:s18+$0x1830 ss:$0x81] =	vst.msk $0xffff, v6;
	v1 =	vld [tilespmem:s17+$0x30]  }
.LBB1_3:
0x51: {  	p1 =	sne.s32 s21, $0x1FC;
	v5 =	vld [tilespmem:s17+$0xFFFFFFD0];
	[tilespmem:s18+$0x2040 ss:$0x81] =	vst.msk $0xffff, v4  }
0x52: {  	v6 =	vld [tilespmem:s17+$0xFFFFFFE0];
	[tilespmem:s18+$0x2850 ss:$0x81] =	vst.msk $0xffff, v3  }
0x53: {  	s22 =	sshra.s32 s20, $0x2;
	s20 =	smov.u32 s21;
	v7 =	vld [tilespmem:s17+$0xFFFFFFF0];
	[tilespmem:s18+$0x3060 ss:$0x81] =	vst.msk $0xffff, v2  }
.Ltmp3:
0x54: {  	v4 =	vld [tilespmem:s17+$0x0];
	[tilespmem:s18+$0x0 ss:$0x81] =	vst.msk $0xffff, v0;
	s18 =	sadd.s32 s22, s19;
	(pc) =	sbr.rel @p1 .LBB1_3-.Ltmp3, $4  }
0x55: {  	v3 =	vld [tilespmem:s17+$0x10];
	[tilespmem:s18+$0x3870 ss:$0x81] =	vst.msk $0xffff, v1  }
0x56: {  	[tilespmem:s18+$0x810 ss:$0x81] =	vst.msk $0xffff, v5;
	v2 =	vld [tilespmem:s17+$0x20]  }
0x57: {  	v0 =	vld [tilespmem:s17+$0xFFFFFFC0];
	[tilespmem:s18+$0x1020 ss:$0x81] =	vst.msk $0xffff, v6;
	s17 =	sadd.s32 $0x80, s17  }
0x58: {  	s21 =	sadd.s32 $0x4, s21;
	v1 =	vld [tilespmem:s17+$0x30];
	[tilespmem:s18+$0x1830 ss:$0x81] =	vst.msk $0xffff, v7  }
.Ltmp4:
0x59: {  	_ = 	snop;
	(pc) =	sbr.rel .LBB1_4-.Ltmp4, $1  }
0x5a: {  	_ =	sdelay $0x3  }
.LBB1_6:
0x5b: {  	_ =	sfence.sel $0x180000  }
0x5c: {  	s2 =	simm.s32 $0x1;
	[bflag:$0x0] =	sbarrier.arrive $0xFFFF  }
0x5d: {  	s31 =	simm.s32 $0x2;
	[sflag:s2] =	ssyncpa.u1 $0x1  }
0x5e: {  	[sflag:s31] =	ssyncpa.u1 $0x1  }
0x5f: {  	p0 =	sne.s32 s0, $0x0;
	_ =	strace $0x9000004A  }
0x60: {  	s0 =	sadd.s32 @!p0 $0x100000, s1;
	[bflag:$0x2] =	sbarrier.arrive $0xFFFF  }
0x61: {  	[sflag:s0] =	ssyncadd.tile.s32 @!p0 $0x1;
	_ =	shalt  }
.Lfunc_end1:
_tile_overlayer_lowered:
.L_overlay_start_2:
0x62: {  	(tag) =	ssettag $0x2  }
0x63: {  	s0 =	rddreg [dreg:$0x0];
	s2 =	stileid.u32  }
0x64: {  	s1 =	rddreg [dreg:$0x1];
	p0 =	sne.s32 s2, $0x0  }
0x65: {  	s3 =	rddreg [dreg:$0x2];
	[bflag:$0x3] =	sbarrier.arrive $0xFFFF;
	s2 =	simm.s32 @!p0 $0x1C01  }
0x66: {  	[timem:s3], [sflag:s2] =	dma.local @!p0 [hbm:s0], s1  }
0x67: {  	s0 =	simm.s32 @!p0 $0x1  }
0x68: {  	_ =	swait.ge @!p0 [sflag:s0], s1  }
0x69: {  	s1 =	ssub.s32 @!p0 $0x0, s1;
	[sflag:s0] =	ssyncset.done @!p0 $0x0  }
0x6a: {  	[sflag:s0] =	ssyncadd.s32 @!p0 s1  }
0x6b: {  	[bflag:$0x3] =	sbarrier.arrive $0xFFFF  }
0x6c: {  	_ =	shalt  }

</sc_bundles>
